<compile_context>
chip_gen: v7x
topology: tpu7x:2x2x1
jax: 0.10.2.dev20260603
libtpu: 0.0.44.dev20260713+nightly
codegen_flags: <defaults>
</compile_context>

<pallas_src>
import jax
import jax.numpy as jnp
from jax import lax
from jax.experimental import pallas as pl
from jax.experimental.pallas import tpu as pltpu
from jax.experimental.pallas import tpu_sc as plsc

_BATCH = 4096
_HIST = 200
_MAIN_DIM = 16
_SUB_DIM = 48
_OUT_DIM = _MAIN_DIM + _SUB_DIM
_N = _BATCH * _HIST
_NW = 32
_BPW = _BATCH // _NW
_PER_W = _N // _NW
_KA = 104
_KB = 96
_CHUNKS = 2 * _BPW
_NBUF = 4
_GROUPS = _CHUNKS // _NBUF
_KS = (_KA, _KB, _KA, _KB)
_HS = (0, _KA, 0, _KA)


def _body(mid_hbm, sid_hbm, mt_hbm, st_hbm, out_hbm,
          midx_v, sidx_v, mrows, srows, gsems, wsems):
  wid = lax.axis_index("s") * 2 + lax.axis_index("c")
  wbase = wid * _PER_W
  b0 = wid * _BPW

  def gather_start(i, b):
    k, h = _KS[b], _HS[b]
    off = (i // 2) * _HIST + h
    cm = pltpu.async_copy(mt_hbm.at[midx_v.at[pl.ds(off, k)]],
                          mrows[b], gsems[b])
    cs = pltpu.async_copy(st_hbm.at[sidx_v.at[pl.ds(off, k)]],
                          srows[b], gsems[b])
    return cm, cs

  def gather_wait(b):
    k = _KS[b]
    pltpu.make_async_copy(mt_hbm.at[midx_v.at[pl.ds(0, k)]],
                          mrows[b], gsems[b]).wait()
    pltpu.make_async_copy(st_hbm.at[sidx_v.at[pl.ds(0, k)]],
                          srows[b], gsems[b]).wait()

  def write_start(i, b):
    k, h = _KS[b], _HS[b]
    bb = b0 + i // 2
    pltpu.async_copy(mrows[b],
                     out_hbm.at[bb, pl.ds(h, k), 0:_MAIN_DIM], wsems[b])
    pltpu.async_copy(srows[b],
                     out_hbm.at[bb, pl.ds(h, k), _MAIN_DIM:_OUT_DIM],
                     wsems[b])

  def write_wait(b):
    k, h = _KS[b], _HS[b]
    pltpu.make_async_copy(mrows[b],
                          out_hbm.at[0, pl.ds(h, k), 0:_MAIN_DIM],
                          wsems[b]).wait()
    pltpu.make_async_copy(srows[b],
                          out_hbm.at[0, pl.ds(h, k), _MAIN_DIM:_OUT_DIM],
                          wsems[b]).wait()

  pltpu.sync_copy(mid_hbm.at[pl.ds(wbase, _PER_W)], midx_v)
  pltpu.sync_copy(sid_hbm.at[pl.ds(wbase, _PER_W)], sidx_v)

  for b in range(_NBUF):
    gather_start(b, b)
    if b >= 2:
      gather_wait(b - 2)
      write_start(b - 2, b - 2)

  def group(g, carry):
    for b in range(_NBUF):
      i = g * _NBUF + b
      write_wait(b)
      gather_start(i, b)
      bw = (b - 2) % _NBUF
      gather_wait(bw)
      write_start(i - 2, bw)
    return carry

  lax.fori_loop(1, _GROUPS, group, 0)

  for j in range(2):
    i = _CHUNKS - 2 + j
    b = i % _NBUF
    gather_wait(b)
    write_start(i, b)
  for j in range(_NBUF):
    write_wait((_CHUNKS - _NBUF + j) % _NBUF)


@jax.jit
def _encode(mid_flat, sid_flat, main_table, sub_table):
  mesh = plsc.VectorSubcoreMesh(core_axis_name="c", subcore_axis_name="s")

  def body(mid_hbm, sid_hbm, mt_hbm, st_hbm, out_hbm,
           midx_v, sidx_v,
           mr0, mr1, mr2, mr3, sr0, sr1, sr2, sr3,
           g0, g1, g2, g3, w0, w1, w2, w3):
    _body(mid_hbm, sid_hbm, mt_hbm, st_hbm, out_hbm,
          midx_v, sidx_v,
          (mr0, mr1, mr2, mr3), (sr0, sr1, sr2, sr3),
          (g0, g1, g2, g3), (w0, w1, w2, w3))

  f = pl.kernel(
      body,
      out_type=jax.ShapeDtypeStruct((_BATCH, _HIST, _OUT_DIM), jnp.float32),
      mesh=mesh,
      scratch_types=[
          pltpu.VMEM((_PER_W,), jnp.int32),
          pltpu.VMEM((_PER_W,), jnp.int32),
      ] + [pltpu.VMEM((k, _MAIN_DIM), jnp.float32) for k in _KS]
        + [pltpu.VMEM((k, _SUB_DIM), jnp.float32) for k in _KS]
        + [pltpu.SemaphoreType.DMA] * (2 * _NBUF),
      compiler_params=pltpu.CompilerParams(use_tc_tiling_on_sc=False),
  )
  return f(mid_flat, sid_flat, main_table, sub_table)


def kernel(main_category_id, sub_category_id, main_table, sub_table):
  mid = main_category_id.reshape(_N).astype(jnp.int32)
  sid = sub_category_id.reshape(_N).astype(jnp.int32)
  return _encode(mid, sid, main_table, sub_table)

# --- scband reference (transcript-rebuilt; emitter-appended) ---
"""Pipeline reference for scband-category-key-encoder-31499290149144 (READ-ONLY COPY).

The authoritative reference and input builder live on the scoring server;
editing this copy changes nothing except your own understanding.
"""

import jax, jax.numpy as jnp
import numpy as np

MAIN_CAT_NUM = 1000
CAT_NUM = 100000
MAIN_DIM = 16
SUB_DIM = 48
BATCH = 4096
HIST = 200


def setup_inputs(seed: int = 0) -> dict:
    key = jax.random.key(seed)
    k1, k2, k3, k4 = jax.random.split(key, 4)
    main_category_id = jax.random.randint(k1, (BATCH, HIST), 0, MAIN_CAT_NUM, dtype=jnp.int64 if jax.config.jax_enable_x64 else jnp.int32)
    sub_category_id = jax.random.randint(k2, (BATCH, HIST), 0, CAT_NUM, dtype=jnp.int64 if jax.config.jax_enable_x64 else jnp.int32)
    main_table = jax.random.normal(k3, (MAIN_CAT_NUM, MAIN_DIM), dtype=jnp.float32)
    sub_table = jax.random.normal(k4, (CAT_NUM, SUB_DIM), dtype=jnp.float32)
    return {
        "main_category_id": main_category_id,
        "sub_category_id": sub_category_id,
        "main_table": main_table,
        "sub_table": sub_table,
    }


def reference(main_category_id, sub_category_id, main_table, sub_table):
    # nn.Embedding lookup == row gather from the table
    main_emb = jnp.take(main_table, main_category_id, axis=0)  # [B, L, MAIN_DIM]
    sub_emb = jnp.take(sub_table, sub_category_id, axis=0)     # [B, L, SUB_DIM]
    return jnp.concatenate([main_emb, sub_emb], axis=-1)        # [B, L, MAIN_DIM+SUB_DIM]

if __name__ == "__main__":
    import jax
    _d = setup_inputs()
    print(jax.jit(kernel)(*tuple(_d.values())))

</pallas_src>

<mosaic_0001>
#map = affine_map<(d0, d1) -> (0)>
#map1 = affine_map<(d0, d1) -> (0, 0)>
#map2 = affine_map<(d0, d1) -> (0, 0, 0)>
module attributes {stable_mosaic.version = 14 : i64} {
  func.func @body(%arg0: i32, %arg1: i32, %arg2: memref<819200xi32, #tpu.memory_space<hbm>>, %arg3: memref<819200xi32, #tpu.memory_space<hbm>>, %arg4: memref<1000x16xf32, #tpu.memory_space<hbm>>, %arg5: memref<100000x48xf32, #tpu.memory_space<hbm>>, %arg6: memref<4096x200x64xf32, #tpu.memory_space<hbm>>, %arg7: memref<25600xi32, #tpu.memory_space<vmem>>, %arg8: memref<25600xi32, #tpu.memory_space<vmem>>, %arg9: memref<104x16xf32, #tpu.memory_space<vmem>>, %arg10: memref<96x16xf32, #tpu.memory_space<vmem>>, %arg11: memref<104x16xf32, #tpu.memory_space<vmem>>, %arg12: memref<96x16xf32, #tpu.memory_space<vmem>>, %arg13: memref<104x48xf32, #tpu.memory_space<vmem>>, %arg14: memref<96x48xf32, #tpu.memory_space<vmem>>, %arg15: memref<104x48xf32, #tpu.memory_space<vmem>>, %arg16: memref<96x48xf32, #tpu.memory_space<vmem>>, %arg17: memref<!tpu.dma_semaphore, #tpu.memory_space<semaphore_mem>>, %arg18: memref<!tpu.dma_semaphore, #tpu.memory_space<semaphore_mem>>, %arg19: memref<!tpu.dma_semaphore, #tpu.memory_space<semaphore_mem>>, %arg20: memref<!tpu.dma_semaphore, #tpu.memory_space<semaphore_mem>>, %arg21: memref<!tpu.dma_semaphore, #tpu.memory_space<semaphore_mem>>, %arg22: memref<!tpu.dma_semaphore, #tpu.memory_space<semaphore_mem>>, %arg23: memref<!tpu.dma_semaphore, #tpu.memory_space<semaphore_mem>>, %arg24: memref<!tpu.dma_semaphore, #tpu.memory_space<semaphore_mem>>) attributes {dimension_semantics = [#tpu.dimension_semantics<core_parallel>, #tpu.dimension_semantics<subcore_parallel>], iteration_bounds = array<i64: 2, 16>, scalar_prefetch = 0 : i64, scratch_operands = 18 : i64, tpu.core_type = #tpu.core_type<sc_vector_subcore>, window_params = [{transform_indices = #map}, {transform_indices = #map}, {transform_indices = #map1}, {transform_indices = #map1}, {transform_indices = #map2}]} {
    %mul3A = arith.constant 2 : i32
    %mul3A_0 = arith.muli %arg1, %mul3A : i32
    %add3A = arith.addi %mul3A_0, %arg0 : i32
    %mul3A_1 = arith.constant 25600 : i32
    %mul3A_2 = arith.muli %add3A, %mul3A_1 : i32
    %mul3A_3 = arith.constant 128 : i32
    %mul3A_4 = arith.muli %add3A, %mul3A_3 : i32
    "tpu.region"() ({
      %run_scoped3A = tpu.sem_alloc : memref<!tpu.dma_semaphore, #tpu.memory_space<semaphore_mem>>
      %dma_start3A_232 = tpu.memref_slice %arg2[%mul3A_2] : memref<819200xi32, #tpu.memory_space<hbm>> -> memref<25600xi32, #tpu.memory_space<hbm>>
      %dma_start3A_233 = tpu.memref_slice %arg2[%mul3A_2] : memref<819200xi32, #tpu.memory_space<hbm>> -> memref<25600xi32, #tpu.memory_space<hbm>>
      tpu.enqueue_dma source(%dma_start3A_233 : memref<25600xi32, #tpu.memory_space<hbm>>) target(%arg7 : memref<25600xi32, #tpu.memory_space<vmem>>) target_semaphore(%run_scoped3A : memref<!tpu.dma_semaphore, #tpu.memory_space<semaphore_mem>>)
      %dma_wait3A_234 = tpu.memref_slice %arg2[%mul3A_2] : memref<819200xi32, #tpu.memory_space<hbm>> -> memref<25600xi32, #tpu.memory_space<hbm>>
      %dma_wait3A_235 = tpu.memref_slice %arg2[%mul3A_2] : memref<819200xi32, #tpu.memory_space<hbm>> -> memref<25600xi32, #tpu.memory_space<hbm>>
      tpu.wait_dma2 semaphore(%run_scoped3A : memref<!tpu.dma_semaphore, #tpu.memory_space<semaphore_mem>>) src(%dma_wait3A_235 : memref<25600xi32, #tpu.memory_space<hbm>>) dst(%arg7 : memref<25600xi32, #tpu.memory_space<vmem>>)
      tpu.yield
    }) : () -> ()
    "tpu.region"() ({
      %run_scoped3A = tpu.sem_alloc : memref<!tpu.dma_semaphore, #tpu.memory_space<semaphore_mem>>
      %dma_start3A_232 = tpu.memref_slice %arg3[%mul3A_2] : memref<819200xi32, #tpu.memory_space<hbm>> -> memref<25600xi32, #tpu.memory_space<hbm>>
      %dma_start3A_233 = tpu.memref_slice %arg3[%mul3A_2] : memref<819200xi32, #tpu.memory_space<hbm>> -> memref<25600xi32, #tpu.memory_space<hbm>>
      tpu.enqueue_dma source(%dma_start3A_233 : memref<25600xi32, #tpu.memory_space<hbm>>) target(%arg8 : memref<25600xi32, #tpu.memory_space<vmem>>) target_semaphore(%run_scoped3A : memref<!tpu.dma_semaphore, #tpu.memory_space<semaphore_mem>>)
      %dma_wait3A_234 = tpu.memref_slice %arg3[%mul3A_2] : memref<819200xi32, #tpu.memory_space<hbm>> -> memref<25600xi32, #tpu.memory_space<hbm>>
      %dma_wait3A_235 = tpu.memref_slice %arg3[%mul3A_2] : memref<819200xi32, #tpu.memory_space<hbm>> -> memref<25600xi32, #tpu.memory_space<hbm>>
      tpu.wait_dma2 semaphore(%run_scoped3A : memref<!tpu.dma_semaphore, #tpu.memory_space<semaphore_mem>>) src(%dma_wait3A_235 : memref<25600xi32, #tpu.memory_space<hbm>>) dst(%arg8 : memref<25600xi32, #tpu.memory_space<vmem>>)
      tpu.yield
    }) : () -> ()
    %dma_start3A = arith.constant 0 : i32
    %dma_start3A_5 = tpu.memref_slice %arg7[%dma_start3A] : memref<25600xi32, #tpu.memory_space<vmem>> -> memref<104xi32, #tpu.memory_space<vmem>>
    %dma_start3A_6 = arith.constant 0 : i32
    %dma_start3A_7 = arith.constant 0 : i32
    %dma_start3A_8 = tpu.memref_slice %arg4[%dma_start3A_6, %dma_start3A_7] : memref<1000x16xf32, #tpu.memory_space<hbm>> -> memref<1000x16xf32, #tpu.memory_space<hbm>>
    tpu.enqueue_indirect_dma source(%dma_start3A_8 : memref<1000x16xf32, #tpu.memory_space<hbm>>) target(%arg9 : memref<104x16xf32, #tpu.memory_space<vmem>>) offsets(%dma_start3A_5 : memref<104xi32, #tpu.memory_space<vmem>>) semaphore(%arg17 : memref<!tpu.dma_semaphore, #tpu.memory_space<semaphore_mem>>)
    %dma_start3A_9 = arith.constant 0 : i32
    %dma_start3A_10 = tpu.memref_slice %arg8[%dma_start3A_9] : memref<25600xi32, #tpu.memory_space<vmem>> -> memref<104xi32, #tpu.memory_space<vmem>>
    %dma_start3A_11 = arith.constant 0 : i32
    %dma_start3A_12 = arith.constant 0 : i32
    %dma_start3A_13 = tpu.memref_slice %arg5[%dma_start3A_11, %dma_start3A_12] : memref<100000x48xf32, #tpu.memory_space<hbm>> -> memref<100000x48xf32, #tpu.memory_space<hbm>>
    tpu.enqueue_indirect_dma source(%dma_start3A_13 : memref<100000x48xf32, #tpu.memory_space<hbm>>) target(%arg13 : memref<104x48xf32, #tpu.memory_space<vmem>>) offsets(%dma_start3A_10 : memref<104xi32, #tpu.memory_space<vmem>>) semaphore(%arg17 : memref<!tpu.dma_semaphore, #tpu.memory_space<semaphore_mem>>)
    %dma_start3A_14 = arith.constant 104 : i32
    %dma_start3A_15 = tpu.memref_slice %arg7[%dma_start3A_14] : memref<25600xi32, #tpu.memory_space<vmem>> -> memref<96xi32, #tpu.memory_space<vmem>>
    %dma_start3A_16 = arith.constant 0 : i32
    %dma_start3A_17 = arith.constant 0 : i32
    %dma_start3A_18 = tpu.memref_slice %arg4[%dma_start3A_16, %dma_start3A_17] : memref<1000x16xf32, #tpu.memory_space<hbm>> -> memref<1000x16xf32, #tpu.memory_space<hbm>>
    tpu.enqueue_indirect_dma source(%dma_start3A_18 : memref<1000x16xf32, #tpu.memory_space<hbm>>) target(%arg10 : memref<96x16xf32, #tpu.memory_space<vmem>>) offsets(%dma_start3A_15 : memref<96xi32, #tpu.memory_space<vmem>>) semaphore(%arg18 : memref<!tpu.dma_semaphore, #tpu.memory_space<semaphore_mem>>)
    %dma_start3A_19 = arith.constant 104 : i32
    %dma_start3A_20 = tpu.memref_slice %arg8[%dma_start3A_19] : memref<25600xi32, #tpu.memory_space<vmem>> -> memref<96xi32, #tpu.memory_space<vmem>>
    %dma_start3A_21 = arith.constant 0 : i32
    %dma_start3A_22 = arith.constant 0 : i32
    %dma_start3A_23 = tpu.memref_slice %arg5[%dma_start3A_21, %dma_start3A_22] : memref<100000x48xf32, #tpu.memory_space<hbm>> -> memref<100000x48xf32, #tpu.memory_space<hbm>>
    tpu.enqueue_indirect_dma source(%dma_start3A_23 : memref<100000x48xf32, #tpu.memory_space<hbm>>) target(%arg14 : memref<96x48xf32, #tpu.memory_space<vmem>>) offsets(%dma_start3A_20 : memref<96xi32, #tpu.memory_space<vmem>>) semaphore(%arg18 : memref<!tpu.dma_semaphore, #tpu.memory_space<semaphore_mem>>)
    %dma_start3A_24 = arith.constant 200 : i32
    %dma_start3A_25 = tpu.memref_slice %arg7[%dma_start3A_24] : memref<25600xi32, #tpu.memory_space<vmem>> -> memref<104xi32, #tpu.memory_space<vmem>>
    %dma_start3A_26 = arith.constant 0 : i32
    %dma_start3A_27 = arith.constant 0 : i32
    %dma_start3A_28 = tpu.memref_slice %arg4[%dma_start3A_26, %dma_start3A_27] : memref<1000x16xf32, #tpu.memory_space<hbm>> -> memref<1000x16xf32, #tpu.memory_space<hbm>>
    tpu.enqueue_indirect_dma source(%dma_start3A_28 : memref<1000x16xf32, #tpu.memory_space<hbm>>) target(%arg11 : memref<104x16xf32, #tpu.memory_space<vmem>>) offsets(%dma_start3A_25 : memref<104xi32, #tpu.memory_space<vmem>>) semaphore(%arg19 : memref<!tpu.dma_semaphore, #tpu.memory_space<semaphore_mem>>)
    %dma_start3A_29 = arith.constant 200 : i32
    %dma_start3A_30 = tpu.memref_slice %arg8[%dma_start3A_29] : memref<25600xi32, #tpu.memory_space<vmem>> -> memref<104xi32, #tpu.memory_space<vmem>>
    %dma_start3A_31 = arith.constant 0 : i32
    %dma_start3A_32 = arith.constant 0 : i32
    %dma_start3A_33 = tpu.memref_slice %arg5[%dma_start3A_31, %dma_start3A_32] : memref<100000x48xf32, #tpu.memory_space<hbm>> -> memref<100000x48xf32, #tpu.memory_space<hbm>>
    tpu.enqueue_indirect_dma source(%dma_start3A_33 : memref<100000x48xf32, #tpu.memory_space<hbm>>) target(%arg15 : memref<104x48xf32, #tpu.memory_space<vmem>>) offsets(%dma_start3A_30 : memref<104xi32, #tpu.memory_space<vmem>>) semaphore(%arg19 : memref<!tpu.dma_semaphore, #tpu.memory_space<semaphore_mem>>)
    %dma_wait3A = arith.constant 0 : i32
    %dma_wait3A_34 = tpu.memref_slice %arg7[%dma_wait3A] : memref<25600xi32, #tpu.memory_space<vmem>> -> memref<104xi32, #tpu.memory_space<vmem>>
    %dma_wait3A_35 = arith.constant 0 : i32
    %dma_wait3A_36 = arith.constant 0 : i32
    %dma_wait3A_37 = tpu.memref_slice %arg4[%dma_wait3A_35, %dma_wait3A_36] : memref<1000x16xf32, #tpu.memory_space<hbm>> -> memref<1000x16xf32, #tpu.memory_space<hbm>>
    tpu.wait_indirect_dma semaphore(%arg17 : memref<!tpu.dma_semaphore, #tpu.memory_space<semaphore_mem>>) src(%dma_wait3A_37 : memref<1000x16xf32, #tpu.memory_space<hbm>>) dst(%arg9 : memref<104x16xf32, #tpu.memory_space<vmem>>)
    %dma_wait3A_38 = arith.constant 0 : i32
    %dma_wait3A_39 = tpu.memref_slice %arg8[%dma_wait3A_38] : memref<25600xi32, #tpu.memory_space<vmem>> -> memref<104xi32, #tpu.memory_space<vmem>>
    %dma_wait3A_40 = arith.constant 0 : i32
    %dma_wait3A_41 = arith.constant 0 : i32
    %dma_wait3A_42 = tpu.memref_slice %arg5[%dma_wait3A_40, %dma_wait3A_41] : memref<100000x48xf32, #tpu.memory_space<hbm>> -> memref<100000x48xf32, #tpu.memory_space<hbm>>
    tpu.wait_indirect_dma semaphore(%arg17 : memref<!tpu.dma_semaphore, #tpu.memory_space<semaphore_mem>>) src(%dma_wait3A_42 : memref<100000x48xf32, #tpu.memory_space<hbm>>) dst(%arg13 : memref<104x48xf32, #tpu.memory_space<vmem>>)
    %add3A_43 = arith.constant 0 : i32
    %add3A_44 = arith.addi %mul3A_4, %add3A_43 : i32
    %dma_start3A_45 = arith.constant 0 : i32
    %dma_start3A_46 = arith.constant 0 : i32
    %dma_start3A_47 = tpu.memref_slice %arg6[%add3A_44, %dma_start3A_45, %dma_start3A_46] : memref<4096x200x64xf32, #tpu.memory_space<hbm>> -> memref<1x104x16xf32, #tpu.memory_space<hbm>>
    %dma_start3A_48 = tpu.memref_squeeze %dma_start3A_47 : memref<1x104x16xf32, #tpu.memory_space<hbm>> -> memref<104x16xf32, #tpu.memory_space<hbm>>
    %dma_start3A_49 = arith.constant 0 : i32
    %dma_start3A_50 = arith.constant 0 : i32
    %dma_start3A_51 = tpu.memref_slice %arg6[%add3A_44, %dma_start3A_49, %dma_start3A_50] : memref<4096x200x64xf32, #tpu.memory_space<hbm>> -> memref<1x104x16xf32, #tpu.memory_space<hbm>>
    %dma_start3A_52 = tpu.memref_squeeze %dma_start3A_51 : memref<1x104x16xf32, #tpu.memory_space<hbm>> -> memref<104x16xf32, #tpu.memory_space<hbm>>
    tpu.enqueue_dma source(%arg9 : memref<104x16xf32, #tpu.memory_space<vmem>>) target(%dma_start3A_52 : memref<104x16xf32, #tpu.memory_space<hbm>>) target_semaphore(%arg21 : memref<!tpu.dma_semaphore, #tpu.memory_space<semaphore_mem>>)
    %dma_start3A_53 = arith.constant 0 : i32
    %dma_start3A_54 = arith.constant 16 : i32
    %dma_start3A_55 = tpu.memref_slice %arg6[%add3A_44, %dma_start3A_53, %dma_start3A_54] : memref<4096x200x64xf32, #tpu.memory_space<hbm>> -> memref<1x104x48xf32, #tpu.memory_space<hbm>>
    %dma_start3A_56 = tpu.memref_squeeze %dma_start3A_55 : memref<1x104x48xf32, #tpu.memory_space<hbm>> -> memref<104x48xf32, #tpu.memory_space<hbm>>
    %dma_start3A_57 = arith.constant 0 : i32
    %dma_start3A_58 = arith.constant 16 : i32
    %dma_start3A_59 = tpu.memref_slice %arg6[%add3A_44, %dma_start3A_57, %dma_start3A_58] : memref<4096x200x64xf32, #tpu.memory_space<hbm>> -> memref<1x104x48xf32, #tpu.memory_space<hbm>>
    %dma_start3A_60 = tpu.memref_squeeze %dma_start3A_59 : memref<1x104x48xf32, #tpu.memory_space<hbm>> -> memref<104x48xf32, #tpu.memory_space<hbm>>
    tpu.enqueue_dma source(%arg13 : memref<104x48xf32, #tpu.memory_space<vmem>>) target(%dma_start3A_60 : memref<104x48xf32, #tpu.memory_space<hbm>>) target_semaphore(%arg21 : memref<!tpu.dma_semaphore, #tpu.memory_space<semaphore_mem>>)
    %dma_start3A_61 = arith.constant 304 : i32
    %dma_start3A_62 = tpu.memref_slice %arg7[%dma_start3A_61] : memref<25600xi32, #tpu.memory_space<vmem>> -> memref<96xi32, #tpu.memory_space<vmem>>
    %dma_start3A_63 = arith.constant 0 : i32
    %dma_start3A_64 = arith.constant 0 : i32
    %dma_start3A_65 = tpu.memref_slice %arg4[%dma_start3A_63, %dma_start3A_64] : memref<1000x16xf32, #tpu.memory_space<hbm>> -> memref<1000x16xf32, #tpu.memory_space<hbm>>
    tpu.enqueue_indirect_dma source(%dma_start3A_65 : memref<1000x16xf32, #tpu.memory_space<hbm>>) target(%arg12 : memref<96x16xf32, #tpu.memory_space<vmem>>) offsets(%dma_start3A_62 : memref<96xi32, #tpu.memory_space<vmem>>) semaphore(%arg20 : memref<!tpu.dma_semaphore, #tpu.memory_space<semaphore_mem>>)
    %dma_start3A_66 = arith.constant 304 : i32
    %dma_start3A_67 = tpu.memref_slice %arg8[%dma_start3A_66] : memref<25600xi32, #tpu.memory_space<vmem>> -> memref<96xi32, #tpu.memory_space<vmem>>
    %dma_start3A_68 = arith.constant 0 : i32
    %dma_start3A_69 = arith.constant 0 : i32
    %dma_start3A_70 = tpu.memref_slice %arg5[%dma_start3A_68, %dma_start3A_69] : memref<100000x48xf32, #tpu.memory_space<hbm>> -> memref<100000x48xf32, #tpu.memory_space<hbm>>
    tpu.enqueue_indirect_dma source(%dma_start3A_70 : memref<100000x48xf32, #tpu.memory_space<hbm>>) target(%arg16 : memref<96x48xf32, #tpu.memory_space<vmem>>) offsets(%dma_start3A_67 : memref<96xi32, #tpu.memory_space<vmem>>) semaphore(%arg20 : memref<!tpu.dma_semaphore, #tpu.memory_space<semaphore_mem>>)
    %dma_wait3A_71 = arith.constant 0 : i32
    %dma_wait3A_72 = tpu.memref_slice %arg7[%dma_wait3A_71] : memref<25600xi32, #tpu.memory_space<vmem>> -> memref<96xi32, #tpu.memory_space<vmem>>
    %dma_wait3A_73 = arith.constant 0 : i32
    %dma_wait3A_74 = arith.constant 0 : i32
    %dma_wait3A_75 = tpu.memref_slice %arg4[%dma_wait3A_73, %dma_wait3A_74] : memref<1000x16xf32, #tpu.memory_space<hbm>> -> memref<1000x16xf32, #tpu.memory_space<hbm>>
    tpu.wait_indirect_dma semaphore(%arg18 : memref<!tpu.dma_semaphore, #tpu.memory_space<semaphore_mem>>) src(%dma_wait3A_75 : memref<1000x16xf32, #tpu.memory_space<hbm>>) dst(%arg10 : memref<96x16xf32, #tpu.memory_space<vmem>>)
    %dma_wait3A_76 = arith.constant 0 : i32
    %dma_wait3A_77 = tpu.memref_slice %arg8[%dma_wait3A_76] : memref<25600xi32, #tpu.memory_space<vmem>> -> memref<96xi32, #tpu.memory_space<vmem>>
    %dma_wait3A_78 = arith.constant 0 : i32
    %dma_wait3A_79 = arith.constant 0 : i32
    %dma_wait3A_80 = tpu.memref_slice %arg5[%dma_wait3A_78, %dma_wait3A_79] : memref<100000x48xf32, #tpu.memory_space<hbm>> -> memref<100000x48xf32, #tpu.memory_space<hbm>>
    tpu.wait_indirect_dma semaphore(%arg18 : memref<!tpu.dma_semaphore, #tpu.memory_space<semaphore_mem>>) src(%dma_wait3A_80 : memref<100000x48xf32, #tpu.memory_space<hbm>>) dst(%arg14 : memref<96x48xf32, #tpu.memory_space<vmem>>)
    %add3A_81 = arith.constant 0 : i32
    %add3A_82 = arith.addi %mul3A_4, %add3A_81 : i32
    %dma_start3A_83 = arith.constant 104 : i32
    %dma_start3A_84 = arith.constant 0 : i32
    %dma_start3A_85 = tpu.memref_slice %arg6[%add3A_82, %dma_start3A_83, %dma_start3A_84] : memref<4096x200x64xf32, #tpu.memory_space<hbm>> -> memref<1x96x16xf32, #tpu.memory_space<hbm>>
    %dma_start3A_86 = tpu.memref_squeeze %dma_start3A_85 : memref<1x96x16xf32, #tpu.memory_space<hbm>> -> memref<96x16xf32, #tpu.memory_space<hbm>>
    %dma_start3A_87 = arith.constant 104 : i32
    %dma_start3A_88 = arith.constant 0 : i32
    %dma_start3A_89 = tpu.memref_slice %arg6[%add3A_82, %dma_start3A_87, %dma_start3A_88] : memref<4096x200x64xf32, #tpu.memory_space<hbm>> -> memref<1x96x16xf32, #tpu.memory_space<hbm>>
    %dma_start3A_90 = tpu.memref_squeeze %dma_start3A_89 : memref<1x96x16xf32, #tpu.memory_space<hbm>> -> memref<96x16xf32, #tpu.memory_space<hbm>>
    tpu.enqueue_dma source(%arg10 : memref<96x16xf32, #tpu.memory_space<vmem>>) target(%dma_start3A_90 : memref<96x16xf32, #tpu.memory_space<hbm>>) target_semaphore(%arg22 : memref<!tpu.dma_semaphore, #tpu.memory_space<semaphore_mem>>)
    %dma_start3A_91 = arith.constant 104 : i32
    %dma_start3A_92 = arith.constant 16 : i32
    %dma_start3A_93 = tpu.memref_slice %arg6[%add3A_82, %dma_start3A_91, %dma_start3A_92] : memref<4096x200x64xf32, #tpu.memory_space<hbm>> -> memref<1x96x48xf32, #tpu.memory_space<hbm>>
    %dma_start3A_94 = tpu.memref_squeeze %dma_start3A_93 : memref<1x96x48xf32, #tpu.memory_space<hbm>> -> memref<96x48xf32, #tpu.memory_space<hbm>>
    %dma_start3A_95 = arith.constant 104 : i32
    %dma_start3A_96 = arith.constant 16 : i32
    %dma_start3A_97 = tpu.memref_slice %arg6[%add3A_82, %dma_start3A_95, %dma_start3A_96] : memref<4096x200x64xf32, #tpu.memory_space<hbm>> -> memref<1x96x48xf32, #tpu.memory_space<hbm>>
    %dma_start3A_98 = tpu.memref_squeeze %dma_start3A_97 : memref<1x96x48xf32, #tpu.memory_space<hbm>> -> memref<96x48xf32, #tpu.memory_space<hbm>>
    tpu.enqueue_dma source(%arg14 : memref<96x48xf32, #tpu.memory_space<vmem>>) target(%dma_start3A_98 : memref<96x48xf32, #tpu.memory_space<hbm>>) target_semaphore(%arg22 : memref<!tpu.dma_semaphore, #tpu.memory_space<semaphore_mem>>)
    %scan3A = arith.constant 0 : i32
    %scan3A_99 = arith.constant 1 : i32
    %scan3A_100 = arith.constant 63 : i32
    %scan3A_101 = arith.addi %scan3A_99, %scan3A_100 : i32
    %scan3A_102 = arith.constant 1 : i32
    scf.for %scan3A_232 = %scan3A_99 to %scan3A_101 step %scan3A_102  : i32 {
      %mul3A_233 = arith.constant 4 : i32
      %mul3A_234 = arith.muli %scan3A_232, %mul3A_233 : i32
      %add3A_235 = arith.constant 0 : i32
      %add3A_236 = arith.addi %mul3A_234, %add3A_235 : i32
      %dma_wait3A_237 = arith.constant 0 : i32
      %dma_wait3A_238 = arith.constant 0 : i32
      %dma_wait3A_239 = arith.constant 0 : i32
      %dma_wait3A_240 = tpu.memref_slice %arg6[%dma_wait3A_237, %dma_wait3A_238, %dma_wait3A_239] : memref<4096x200x64xf32, #tpu.memory_space<hbm>> -> memref<1x104x16xf32, #tpu.memory_space<hbm>>
      %dma_wait3A_241 = tpu.memref_squeeze %dma_wait3A_240 : memref<1x104x16xf32, #tpu.memory_space<hbm>> -> memref<104x16xf32, #tpu.memory_space<hbm>>
      %dma_wait3A_242 = arith.constant 0 : i32
      %dma_wait3A_243 = arith.constant 0 : i32
      %dma_wait3A_244 = tpu.memref_slice %arg6[%dma_wait3A_237, %dma_wait3A_242, %dma_wait3A_243] : memref<4096x200x64xf32, #tpu.memory_space<hbm>> -> memref<1x104x16xf32, #tpu.memory_space<hbm>>
      %dma_wait3A_245 = tpu.memref_squeeze %dma_wait3A_244 : memref<1x104x16xf32, #tpu.memory_space<hbm>> -> memref<104x16xf32, #tpu.memory_space<hbm>>
      tpu.wait_dma2 semaphore(%arg21 : memref<!tpu.dma_semaphore, #tpu.memory_space<semaphore_mem>>) src(%arg9 : memref<104x16xf32, #tpu.memory_space<vmem>>) dst(%dma_wait3A_245 : memref<104x16xf32, #tpu.memory_space<hbm>>)
      %dma_wait3A_246 = arith.constant 0 : i32
      %dma_wait3A_247 = arith.constant 0 : i32
      %dma_wait3A_248 = arith.constant 16 : i32
      %dma_wait3A_249 = tpu.memref_slice %arg6[%dma_wait3A_246, %dma_wait3A_247, %dma_wait3A_248] : memref<4096x200x64xf32, #tpu.memory_space<hbm>> -> memref<1x104x48xf32, #tpu.memory_space<hbm>>
      %dma_wait3A_250 = tpu.memref_squeeze %dma_wait3A_249 : memref<1x104x48xf32, #tpu.memory_space<hbm>> -> memref<104x48xf32, #tpu.memory_space<hbm>>
      %dma_wait3A_251 = arith.constant 0 : i32
      %dma_wait3A_252 = arith.constant 16 : i32
      %dma_wait3A_253 = tpu.memref_slice %arg6[%dma_wait3A_246, %dma_wait3A_251, %dma_wait3A_252] : memref<4096x200x64xf32, #tpu.memory_space<hbm>> -> memref<1x104x48xf32, #tpu.memory_space<hbm>>
      %dma_wait3A_254 = tpu.memref_squeeze %dma_wait3A_253 : memref<1x104x48xf32, #tpu.memory_space<hbm>> -> memref<104x48xf32, #tpu.memory_space<hbm>>
      tpu.wait_dma2 semaphore(%arg21 : memref<!tpu.dma_semaphore, #tpu.memory_space<semaphore_mem>>) src(%arg13 : memref<104x48xf32, #tpu.memory_space<vmem>>) dst(%dma_wait3A_254 : memref<104x48xf32, #tpu.memory_space<hbm>>)
      %jit3A = arith.constant 2 : i32
      %div3A = arith.divsi %add3A_236, %jit3A : i32
      %sign3A = arith.constant 0 : i32
      %sign3A_255 = arith.cmpi sgt, %add3A_236, %sign3A : i32
      %sign3A_256 = arith.extui %sign3A_255 : i1 to i32
      %sign3A_257 = arith.constant 0 : i32
      %sign3A_258 = arith.cmpi slt, %add3A_236, %sign3A_257 : i32
      %sign3A_259 = arith.extui %sign3A_258 : i1 to i32
      %sign3A_260 = arith.subi %sign3A_256, %sign3A_259 : i32
      %sign3A_261 = arith.constant 0 : i32
      %sign3A_262 = arith.cmpi sgt, %jit3A, %sign3A_261 : i32
      %sign3A_263 = arith.extui %sign3A_262 : i1 to i32
      %sign3A_264 = arith.constant 0 : i32
      %sign3A_265 = arith.cmpi slt, %jit3A, %sign3A_264 : i32
      %sign3A_266 = arith.extui %sign3A_265 : i1 to i32
      %sign3A_267 = arith.subi %sign3A_263, %sign3A_266 : i32
      %ne3A = arith.cmpi ne, %sign3A_260, %sign3A_267 : i32
      %rem3A = arith.remsi %add3A_236, %jit3A : i32
      %ne3A_268 = arith.constant 0 : i32
      %ne3A_269 = arith.cmpi ne, %rem3A, %ne3A_268 : i32
      %and3A = arith.andi %ne3A, %ne3A_269 : i1
      %sub3A = arith.constant 1 : i32
      %sub3A_270 = arith.subi %div3A, %sub3A : i32
      %select_n3A = arith.select %and3A, %sub3A_270, %div3A : i32
      %mul3A_271 = arith.constant 200 : i32
      %mul3A_272 = arith.muli %select_n3A, %mul3A_271 : i32
      %add3A_273 = arith.constant 0 : i32
      %add3A_274 = arith.addi %mul3A_272, %add3A_273 : i32
      %dma_start3A_275 = tpu.memref_slice %arg7[%add3A_274] : memref<25600xi32, #tpu.memory_space<vmem>> -> memref<104xi32, #tpu.memory_space<vmem>>
      %dma_start3A_276 = arith.constant 0 : i32
      %dma_start3A_277 = arith.constant 0 : i32
      %dma_start3A_278 = tpu.memref_slice %arg4[%dma_start3A_276, %dma_start3A_277] : memref<1000x16xf32, #tpu.memory_space<hbm>> -> memref<1000x16xf32, #tpu.memory_space<hbm>>
      tpu.enqueue_indirect_dma source(%dma_start3A_278 : memref<1000x16xf32, #tpu.memory_space<hbm>>) target(%arg9 : memref<104x16xf32, #tpu.memory_space<vmem>>) offsets(%dma_start3A_275 : memref<104xi32, #tpu.memory_space<vmem>>) semaphore(%arg17 : memref<!tpu.dma_semaphore, #tpu.memory_space<semaphore_mem>>)
      %dma_start3A_279 = tpu.memref_slice %arg8[%add3A_274] : memref<25600xi32, #tpu.memory_space<vmem>> -> memref<104xi32, #tpu.memory_space<vmem>>
      %dma_start3A_280 = arith.constant 0 : i32
      %dma_start3A_281 = arith.constant 0 : i32
      %dma_start3A_282 = tpu.memref_slice %arg5[%dma_start3A_280, %dma_start3A_281] : memref<100000x48xf32, #tpu.memory_space<hbm>> -> memref<100000x48xf32, #tpu.memory_space<hbm>>
      tpu.enqueue_indirect_dma source(%dma_start3A_282 : memref<100000x48xf32, #tpu.memory_space<hbm>>) target(%arg13 : memref<104x48xf32, #tpu.memory_space<vmem>>) offsets(%dma_start3A_279 : memref<104xi32, #tpu.memory_space<vmem>>) semaphore(%arg17 : memref<!tpu.dma_semaphore, #tpu.memory_space<semaphore_mem>>)
      %dma_wait3A_283 = arith.constant 0 : i32
      %dma_wait3A_284 = tpu.memref_slice %arg7[%dma_wait3A_283] : memref<25600xi32, #tpu.memory_space<vmem>> -> memref<104xi32, #tpu.memory_space<vmem>>
      %dma_wait3A_285 = arith.constant 0 : i32
      %dma_wait3A_286 = arith.constant 0 : i32
      %dma_wait3A_287 = tpu.memref_slice %arg4[%dma_wait3A_285, %dma_wait3A_286] : memref<1000x16xf32, #tpu.memory_space<hbm>> -> memref<1000x16xf32, #tpu.memory_space<hbm>>
      tpu.wait_indirect_dma semaphore(%arg19 : memref<!tpu.dma_semaphore, #tpu.memory_space<semaphore_mem>>) src(%dma_wait3A_287 : memref<1000x16xf32, #tpu.memory_space<hbm>>) dst(%arg11 : memref<104x16xf32, #tpu.memory_space<vmem>>)
      %dma_wait3A_288 = arith.constant 0 : i32
      %dma_wait3A_289 = tpu.memref_slice %arg8[%dma_wait3A_288] : memref<25600xi32, #tpu.memory_space<vmem>> -> memref<104xi32, #tpu.memory_space<vmem>>
      %dma_wait3A_290 = arith.constant 0 : i32
      %dma_wait3A_291 = arith.constant 0 : i32
      %dma_wait3A_292 = tpu.memref_slice %arg5[%dma_wait3A_290, %dma_wait3A_291] : memref<100000x48xf32, #tpu.memory_space<hbm>> -> memref<100000x48xf32, #tpu.memory_space<hbm>>
      tpu.wait_indirect_dma semaphore(%arg19 : memref<!tpu.dma_semaphore, #tpu.memory_space<semaphore_mem>>) src(%dma_wait3A_292 : memref<100000x48xf32, #tpu.memory_space<hbm>>) dst(%arg15 : memref<104x48xf32, #tpu.memory_space<vmem>>)
      %sub3A_293 = arith.constant 2 : i32
      %sub3A_294 = arith.subi %add3A_236, %sub3A_293 : i32
      %jit3A_295 = arith.constant 2 : i32
      %div3A_296 = arith.divsi %sub3A_294, %jit3A_295 : i32
      %sign3A_297 = arith.constant 0 : i32
      %sign3A_298 = arith.cmpi sgt, %sub3A_294, %sign3A_297 : i32
      %sign3A_299 = arith.extui %sign3A_298 : i1 to i32
      %sign3A_300 = arith.constant 0 : i32
      %sign3A_301 = arith.cmpi slt, %sub3A_294, %sign3A_300 : i32
      %sign3A_302 = arith.extui %sign3A_301 : i1 to i32
      %sign3A_303 = arith.subi %sign3A_299, %sign3A_302 : i32
      %sign3A_304 = arith.constant 0 : i32
      %sign3A_305 = arith.cmpi sgt, %jit3A_295, %sign3A_304 : i32
      %sign3A_306 = arith.extui %sign3A_305 : i1 to i32
      %sign3A_307 = arith.constant 0 : i32
      %sign3A_308 = arith.cmpi slt, %jit3A_295, %sign3A_307 : i32
      %sign3A_309 = arith.extui %sign3A_308 : i1 to i32
      %sign3A_310 = arith.subi %sign3A_306, %sign3A_309 : i32
      %ne3A_311 = arith.cmpi ne, %sign3A_303, %sign3A_310 : i32
      %rem3A_312 = arith.remsi %sub3A_294, %jit3A_295 : i32
      %ne3A_313 = arith.constant 0 : i32
      %ne3A_314 = arith.cmpi ne, %rem3A_312, %ne3A_313 : i32
      %and3A_315 = arith.andi %ne3A_311, %ne3A_314 : i1
      %sub3A_316 = arith.constant 1 : i32
      %sub3A_317 = arith.subi %div3A_296, %sub3A_316 : i32
      %select_n3A_318 = arith.select %and3A_315, %sub3A_317, %div3A_296 : i32
      %add3A_319 = arith.addi %mul3A_4, %select_n3A_318 : i32
      %dma_start3A_320 = arith.constant 0 : i32
      %dma_start3A_321 = arith.constant 0 : i32
      %dma_start3A_322 = tpu.memref_slice %arg6[%add3A_319, %dma_start3A_320, %dma_start3A_321] : memref<4096x200x64xf32, #tpu.memory_space<hbm>> -> memref<1x104x16xf32, #tpu.memory_space<hbm>>
      %dma_start3A_323 = tpu.memref_squeeze %dma_start3A_322 : memref<1x104x16xf32, #tpu.memory_space<hbm>> -> memref<104x16xf32, #tpu.memory_space<hbm>>
      %dma_start3A_324 = arith.constant 0 : i32
      %dma_start3A_325 = arith.constant 0 : i32
      %dma_start3A_326 = tpu.memref_slice %arg6[%add3A_319, %dma_start3A_324, %dma_start3A_325] : memref<4096x200x64xf32, #tpu.memory_space<hbm>> -> memref<1x104x16xf32, #tpu.memory_space<hbm>>
      %dma_start3A_327 = tpu.memref_squeeze %dma_start3A_326 : memref<1x104x16xf32, #tpu.memory_space<hbm>> -> memref<104x16xf32, #tpu.memory_space<hbm>>
      tpu.enqueue_dma source(%arg11 : memref<104x16xf32, #tpu.memory_space<vmem>>) target(%dma_start3A_327 : memref<104x16xf32, #tpu.memory_space<hbm>>) target_semaphore(%arg23 : memref<!tpu.dma_semaphore, #tpu.memory_space<semaphore_mem>>)
      %dma_start3A_328 = arith.constant 0 : i32
      %dma_start3A_329 = arith.constant 16 : i32
      %dma_start3A_330 = tpu.memref_slice %arg6[%add3A_319, %dma_start3A_328, %dma_start3A_329] : memref<4096x200x64xf32, #tpu.memory_space<hbm>> -> memref<1x104x48xf32, #tpu.memory_space<hbm>>
      %dma_start3A_331 = tpu.memref_squeeze %dma_start3A_330 : memref<1x104x48xf32, #tpu.memory_space<hbm>> -> memref<104x48xf32, #tpu.memory_space<hbm>>
      %dma_start3A_332 = arith.constant 0 : i32
      %dma_start3A_333 = arith.constant 16 : i32
      %dma_start3A_334 = tpu.memref_slice %arg6[%add3A_319, %dma_start3A_332, %dma_start3A_333] : memref<4096x200x64xf32, #tpu.memory_space<hbm>> -> memref<1x104x48xf32, #tpu.memory_space<hbm>>
      %dma_start3A_335 = tpu.memref_squeeze %dma_start3A_334 : memref<1x104x48xf32, #tpu.memory_space<hbm>> -> memref<104x48xf32, #tpu.memory_space<hbm>>
      tpu.enqueue_dma source(%arg15 : memref<104x48xf32, #tpu.memory_space<vmem>>) target(%dma_start3A_335 : memref<104x48xf32, #tpu.memory_space<hbm>>) target_semaphore(%arg23 : memref<!tpu.dma_semaphore, #tpu.memory_space<semaphore_mem>>)
      %mul3A_336 = arith.constant 4 : i32
      %mul3A_337 = arith.muli %scan3A_232, %mul3A_336 : i32
      %add3A_338 = arith.constant 1 : i32
      %add3A_339 = arith.addi %mul3A_337, %add3A_338 : i32
      %dma_wait3A_340 = arith.constant 0 : i32
      %dma_wait3A_341 = arith.constant 104 : i32
      %dma_wait3A_342 = arith.constant 0 : i32
      %dma_wait3A_343 = tpu.memref_slice %arg6[%dma_wait3A_340, %dma_wait3A_341, %dma_wait3A_342] : memref<4096x200x64xf32, #tpu.memory_space<hbm>> -> memref<1x96x16xf32, #tpu.memory_space<hbm>>
      %dma_wait3A_344 = tpu.memref_squeeze %dma_wait3A_343 : memref<1x96x16xf32, #tpu.memory_space<hbm>> -> memref<96x16xf32, #tpu.memory_space<hbm>>
      %dma_wait3A_345 = arith.constant 104 : i32
      %dma_wait3A_346 = arith.constant 0 : i32
      %dma_wait3A_347 = tpu.memref_slice %arg6[%dma_wait3A_340, %dma_wait3A_345, %dma_wait3A_346] : memref<4096x200x64xf32, #tpu.memory_space<hbm>> -> memref<1x96x16xf32, #tpu.memory_space<hbm>>
      %dma_wait3A_348 = tpu.memref_squeeze %dma_wait3A_347 : memref<1x96x16xf32, #tpu.memory_space<hbm>> -> memref<96x16xf32, #tpu.memory_space<hbm>>
      tpu.wait_dma2 semaphore(%arg22 : memref<!tpu.dma_semaphore, #tpu.memory_space<semaphore_mem>>) src(%arg10 : memref<96x16xf32, #tpu.memory_space<vmem>>) dst(%dma_wait3A_348 : memref<96x16xf32, #tpu.memory_space<hbm>>)
      %dma_wait3A_349 = arith.constant 0 : i32
      %dma_wait3A_350 = arith.constant 104 : i32
      %dma_wait3A_351 = arith.constant 16 : i32
      %dma_wait3A_352 = tpu.memref_slice %arg6[%dma_wait3A_349, %dma_wait3A_350, %dma_wait3A_351] : memref<4096x200x64xf32, #tpu.memory_space<hbm>> -> memref<1x96x48xf32, #tpu.memory_space<hbm>>
      %dma_wait3A_353 = tpu.memref_squeeze %dma_wait3A_352 : memref<1x96x48xf32, #tpu.memory_space<hbm>> -> memref<96x48xf32, #tpu.memory_space<hbm>>
      %dma_wait3A_354 = arith.constant 104 : i32
      %dma_wait3A_355 = arith.constant 16 : i32
      %dma_wait3A_356 = tpu.memref_slice %arg6[%dma_wait3A_349, %dma_wait3A_354, %dma_wait3A_355] : memref<4096x200x64xf32, #tpu.memory_space<hbm>> -> memref<1x96x48xf32, #tpu.memory_space<hbm>>
      %dma_wait3A_357 = tpu.memref_squeeze %dma_wait3A_356 : memref<1x96x48xf32, #tpu.memory_space<hbm>> -> memref<96x48xf32, #tpu.memory_space<hbm>>
      tpu.wait_dma2 semaphore(%arg22 : memref<!tpu.dma_semaphore, #tpu.memory_space<semaphore_mem>>) src(%arg14 : memref<96x48xf32, #tpu.memory_space<vmem>>) dst(%dma_wait3A_357 : memref<96x48xf32, #tpu.memory_space<hbm>>)
      %jit3A_358 = arith.constant 2 : i32
      %div3A_359 = arith.divsi %add3A_339, %jit3A_358 : i32
      %sign3A_360 = arith.constant 0 : i32
      %sign3A_361 = arith.cmpi sgt, %add3A_339, %sign3A_360 : i32
      %sign3A_362 = arith.extui %sign3A_361 : i1 to i32
      %sign3A_363 = arith.constant 0 : i32
      %sign3A_364 = arith.cmpi slt, %add3A_339, %sign3A_363 : i32
      %sign3A_365 = arith.extui %sign3A_364 : i1 to i32
      %sign3A_366 = arith.subi %sign3A_362, %sign3A_365 : i32
      %sign3A_367 = arith.constant 0 : i32
      %sign3A_368 = arith.cmpi sgt, %jit3A_358, %sign3A_367 : i32
      %sign3A_369 = arith.extui %sign3A_368 : i1 to i32
      %sign3A_370 = arith.constant 0 : i32
      %sign3A_371 = arith.cmpi slt, %jit3A_358, %sign3A_370 : i32
      %sign3A_372 = arith.extui %sign3A_371 : i1 to i32
      %sign3A_373 = arith.subi %sign3A_369, %sign3A_372 : i32
      %ne3A_374 = arith.cmpi ne, %sign3A_366, %sign3A_373 : i32
      %rem3A_375 = arith.remsi %add3A_339, %jit3A_358 : i32
      %ne3A_376 = arith.constant 0 : i32
      %ne3A_377 = arith.cmpi ne, %rem3A_375, %ne3A_376 : i32
      %and3A_378 = arith.andi %ne3A_374, %ne3A_377 : i1
      %sub3A_379 = arith.constant 1 : i32
      %sub3A_380 = arith.subi %div3A_359, %sub3A_379 : i32
      %select_n3A_381 = arith.select %and3A_378, %sub3A_380, %div3A_359 : i32
      %mul3A_382 = arith.constant 200 : i32
      %mul3A_383 = arith.muli %select_n3A_381, %mul3A_382 : i32
      %add3A_384 = arith.constant 104 : i32
      %add3A_385 = arith.addi %mul3A_383, %add3A_384 : i32
      %dma_start3A_386 = tpu.memref_slice %arg7[%add3A_385] : memref<25600xi32, #tpu.memory_space<vmem>> -> memref<96xi32, #tpu.memory_space<vmem>>
      %dma_start3A_387 = arith.constant 0 : i32
      %dma_start3A_388 = arith.constant 0 : i32
      %dma_start3A_389 = tpu.memref_slice %arg4[%dma_start3A_387, %dma_start3A_388] : memref<1000x16xf32, #tpu.memory_space<hbm>> -> memref<1000x16xf32, #tpu.memory_space<hbm>>
      tpu.enqueue_indirect_dma source(%dma_start3A_389 : memref<1000x16xf32, #tpu.memory_space<hbm>>) target(%arg10 : memref<96x16xf32, #tpu.memory_space<vmem>>) offsets(%dma_start3A_386 : memref<96xi32, #tpu.memory_space<vmem>>) semaphore(%arg18 : memref<!tpu.dma_semaphore, #tpu.memory_space<semaphore_mem>>)
      %dma_start3A_390 = tpu.memref_slice %arg8[%add3A_385] : memref<25600xi32, #tpu.memory_space<vmem>> -> memref<96xi32, #tpu.memory_space<vmem>>
      %dma_start3A_391 = arith.constant 0 : i32
      %dma_start3A_392 = arith.constant 0 : i32
      %dma_start3A_393 = tpu.memref_slice %arg5[%dma_start3A_391, %dma_start3A_392] : memref<100000x48xf32, #tpu.memory_space<hbm>> -> memref<100000x48xf32, #tpu.memory_space<hbm>>
      tpu.enqueue_indirect_dma source(%dma_start3A_393 : memref<100000x48xf32, #tpu.memory_space<hbm>>) target(%arg14 : memref<96x48xf32, #tpu.memory_space<vmem>>) offsets(%dma_start3A_390 : memref<96xi32, #tpu.memory_space<vmem>>) semaphore(%arg18 : memref<!tpu.dma_semaphore, #tpu.memory_space<semaphore_mem>>)
      %dma_wait3A_394 = arith.constant 0 : i32
      %dma_wait3A_395 = tpu.memref_slice %arg7[%dma_wait3A_394] : memref<25600xi32, #tpu.memory_space<vmem>> -> memref<96xi32, #tpu.memory_space<vmem>>
      %dma_wait3A_396 = arith.constant 0 : i32
      %dma_wait3A_397 = arith.constant 0 : i32
      %dma_wait3A_398 = tpu.memref_slice %arg4[%dma_wait3A_396, %dma_wait3A_397] : memref<1000x16xf32, #tpu.memory_space<hbm>> -> memref<1000x16xf32, #tpu.memory_space<hbm>>
      tpu.wait_indirect_dma semaphore(%arg20 : memref<!tpu.dma_semaphore, #tpu.memory_space<semaphore_mem>>) src(%dma_wait3A_398 : memref<1000x16xf32, #tpu.memory_space<hbm>>) dst(%arg12 : memref<96x16xf32, #tpu.memory_space<vmem>>)
      %dma_wait3A_399 = arith.constant 0 : i32
      %dma_wait3A_400 = tpu.memref_slice %arg8[%dma_wait3A_399] : memref<25600xi32, #tpu.memory_space<vmem>> -> memref<96xi32, #tpu.memory_space<vmem>>
      %dma_wait3A_401 = arith.constant 0 : i32
      %dma_wait3A_402 = arith.constant 0 : i32
      %dma_wait3A_403 = tpu.memref_slice %arg5[%dma_wait3A_401, %dma_wait3A_402] : memref<100000x48xf32, #tpu.memory_space<hbm>> -> memref<100000x48xf32, #tpu.memory_space<hbm>>
      tpu.wait_indirect_dma semaphore(%arg20 : memref<!tpu.dma_semaphore, #tpu.memory_space<semaphore_mem>>) src(%dma_wait3A_403 : memref<100000x48xf32, #tpu.memory_space<hbm>>) dst(%arg16 : memref<96x48xf32, #tpu.memory_space<vmem>>)
      %sub3A_404 = arith.constant 2 : i32
      %sub3A_405 = arith.subi %add3A_339, %sub3A_404 : i32
      %jit3A_406 = arith.constant 2 : i32
      %div3A_407 = arith.divsi %sub3A_405, %jit3A_406 : i32
      %sign3A_408 = arith.constant 0 : i32
      %sign3A_409 = arith.cmpi sgt, %sub3A_405, %sign3A_408 : i32
      %sign3A_410 = arith.extui %sign3A_409 : i1 to i32
      %sign3A_411 = arith.constant 0 : i32
      %sign3A_412 = arith.cmpi slt, %sub3A_405, %sign3A_411 : i32
      %sign3A_413 = arith.extui %sign3A_412 : i1 to i32
      %sign3A_414 = arith.subi %sign3A_410, %sign3A_413 : i32
      %sign3A_415 = arith.constant 0 : i32
      %sign3A_416 = arith.cmpi sgt, %jit3A_406, %sign3A_415 : i32
      %sign3A_417 = arith.extui %sign3A_416 : i1 to i32
      %sign3A_418 = arith.constant 0 : i32
      %sign3A_419 = arith.cmpi slt, %jit3A_406, %sign3A_418 : i32
      %sign3A_420 = arith.extui %sign3A_419 : i1 to i32
      %sign3A_421 = arith.subi %sign3A_417, %sign3A_420 : i32
      %ne3A_422 = arith.cmpi ne, %sign3A_414, %sign3A_421 : i32
      %rem3A_423 = arith.remsi %sub3A_405, %jit3A_406 : i32
      %ne3A_424 = arith.constant 0 : i32
      %ne3A_425 = arith.cmpi ne, %rem3A_423, %ne3A_424 : i32
      %and3A_426 = arith.andi %ne3A_422, %ne3A_425 : i1
      %sub3A_427 = arith.constant 1 : i32
      %sub3A_428 = arith.subi %div3A_407, %sub3A_427 : i32
      %select_n3A_429 = arith.select %and3A_426, %sub3A_428, %div3A_407 : i32
      %add3A_430 = arith.addi %mul3A_4, %select_n3A_429 : i32
      %dma_start3A_431 = arith.constant 104 : i32
      %dma_start3A_432 = arith.constant 0 : i32
      %dma_start3A_433 = tpu.memref_slice %arg6[%add3A_430, %dma_start3A_431, %dma_start3A_432] : memref<4096x200x64xf32, #tpu.memory_space<hbm>> -> memref<1x96x16xf32, #tpu.memory_space<hbm>>
      %dma_start3A_434 = tpu.memref_squeeze %dma_start3A_433 : memref<1x96x16xf32, #tpu.memory_space<hbm>> -> memref<96x16xf32, #tpu.memory_space<hbm>>
      %dma_start3A_435 = arith.constant 104 : i32
      %dma_start3A_436 = arith.constant 0 : i32
      %dma_start3A_437 = tpu.memref_slice %arg6[%add3A_430, %dma_start3A_435, %dma_start3A_436] : memref<4096x200x64xf32, #tpu.memory_space<hbm>> -> memref<1x96x16xf32, #tpu.memory_space<hbm>>
      %dma_start3A_438 = tpu.memref_squeeze %dma_start3A_437 : memref<1x96x16xf32, #tpu.memory_space<hbm>> -> memref<96x16xf32, #tpu.memory_space<hbm>>
      tpu.enqueue_dma source(%arg12 : memref<96x16xf32, #tpu.memory_space<vmem>>) target(%dma_start3A_438 : memref<96x16xf32, #tpu.memory_space<hbm>>) target_semaphore(%arg24 : memref<!tpu.dma_semaphore, #tpu.memory_space<semaphore_mem>>)
      %dma_start3A_439 = arith.constant 104 : i32
      %dma_start3A_440 = arith.constant 16 : i32
      %dma_start3A_441 = tpu.memref_slice %arg6[%add3A_430, %dma_start3A_439, %dma_start3A_440] : memref<4096x200x64xf32, #tpu.memory_space<hbm>> -> memref<1x96x48xf32, #tpu.memory_space<hbm>>
      %dma_start3A_442 = tpu.memref_squeeze %dma_start3A_441 : memref<1x96x48xf32, #tpu.memory_space<hbm>> -> memref<96x48xf32, #tpu.memory_space<hbm>>
      %dma_start3A_443 = arith.constant 104 : i32
      %dma_start3A_444 = arith.constant 16 : i32
      %dma_start3A_445 = tpu.memref_slice %arg6[%add3A_430, %dma_start3A_443, %dma_start3A_444] : memref<4096x200x64xf32, #tpu.memory_space<hbm>> -> memref<1x96x48xf32, #tpu.memory_space<hbm>>
      %dma_start3A_446 = tpu.memref_squeeze %dma_start3A_445 : memref<1x96x48xf32, #tpu.memory_space<hbm>> -> memref<96x48xf32, #tpu.memory_space<hbm>>
      tpu.enqueue_dma source(%arg16 : memref<96x48xf32, #tpu.memory_space<vmem>>) target(%dma_start3A_446 : memref<96x48xf32, #tpu.memory_space<hbm>>) target_semaphore(%arg24 : memref<!tpu.dma_semaphore, #tpu.memory_space<semaphore_mem>>)
      %mul3A_447 = arith.constant 4 : i32
      %mul3A_448 = arith.muli %scan3A_232, %mul3A_447 : i32
      %add3A_449 = arith.constant 2 : i32
      %add3A_450 = arith.addi %mul3A_448, %add3A_449 : i32
      %dma_wait3A_451 = arith.constant 0 : i32
      %dma_wait3A_452 = arith.constant 0 : i32
      %dma_wait3A_453 = arith.constant 0 : i32
      %dma_wait3A_454 = tpu.memref_slice %arg6[%dma_wait3A_451, %dma_wait3A_452, %dma_wait3A_453] : memref<4096x200x64xf32, #tpu.memory_space<hbm>> -> memref<1x104x16xf32, #tpu.memory_space<hbm>>
      %dma_wait3A_455 = tpu.memref_squeeze %dma_wait3A_454 : memref<1x104x16xf32, #tpu.memory_space<hbm>> -> memref<104x16xf32, #tpu.memory_space<hbm>>
      %dma_wait3A_456 = arith.constant 0 : i32
      %dma_wait3A_457 = arith.constant 0 : i32
      %dma_wait3A_458 = tpu.memref_slice %arg6[%dma_wait3A_451, %dma_wait3A_456, %dma_wait3A_457] : memref<4096x200x64xf32, #tpu.memory_space<hbm>> -> memref<1x104x16xf32, #tpu.memory_space<hbm>>
      %dma_wait3A_459 = tpu.memref_squeeze %dma_wait3A_458 : memref<1x104x16xf32, #tpu.memory_space<hbm>> -> memref<104x16xf32, #tpu.memory_space<hbm>>
      tpu.wait_dma2 semaphore(%arg23 : memref<!tpu.dma_semaphore, #tpu.memory_space<semaphore_mem>>) src(%arg11 : memref<104x16xf32, #tpu.memory_space<vmem>>) dst(%dma_wait3A_459 : memref<104x16xf32, #tpu.memory_space<hbm>>)
      %dma_wait3A_460 = arith.constant 0 : i32
      %dma_wait3A_461 = arith.constant 0 : i32
      %dma_wait3A_462 = arith.constant 16 : i32
      %dma_wait3A_463 = tpu.memref_slice %arg6[%dma_wait3A_460, %dma_wait3A_461, %dma_wait3A_462] : memref<4096x200x64xf32, #tpu.memory_space<hbm>> -> memref<1x104x48xf32, #tpu.memory_space<hbm>>
      %dma_wait3A_464 = tpu.memref_squeeze %dma_wait3A_463 : memref<1x104x48xf32, #tpu.memory_space<hbm>> -> memref<104x48xf32, #tpu.memory_space<hbm>>
      %dma_wait3A_465 = arith.constant 0 : i32
      %dma_wait3A_466 = arith.constant 16 : i32
      %dma_wait3A_467 = tpu.memref_slice %arg6[%dma_wait3A_460, %dma_wait3A_465, %dma_wait3A_466] : memref<4096x200x64xf32, #tpu.memory_space<hbm>> -> memref<1x104x48xf32, #tpu.memory_space<hbm>>
      %dma_wait3A_468 = tpu.memref_squeeze %dma_wait3A_467 : memref<1x104x48xf32, #tpu.memory_space<hbm>> -> memref<104x48xf32, #tpu.memory_space<hbm>>
      tpu.wait_dma2 semaphore(%arg23 : memref<!tpu.dma_semaphore, #tpu.memory_space<semaphore_mem>>) src(%arg15 : memref<104x48xf32, #tpu.memory_space<vmem>>) dst(%dma_wait3A_468 : memref<104x48xf32, #tpu.memory_space<hbm>>)
      %jit3A_469 = arith.constant 2 : i32
      %div3A_470 = arith.divsi %add3A_450, %jit3A_469 : i32
      %sign3A_471 = arith.constant 0 : i32
      %sign3A_472 = arith.cmpi sgt, %add3A_450, %sign3A_471 : i32
      %sign3A_473 = arith.extui %sign3A_472 : i1 to i32
      %sign3A_474 = arith.constant 0 : i32
      %sign3A_475 = arith.cmpi slt, %add3A_450, %sign3A_474 : i32
      %sign3A_476 = arith.extui %sign3A_475 : i1 to i32
      %sign3A_477 = arith.subi %sign3A_473, %sign3A_476 : i32
      %sign3A_478 = arith.constant 0 : i32
      %sign3A_479 = arith.cmpi sgt, %jit3A_469, %sign3A_478 : i32
      %sign3A_480 = arith.extui %sign3A_479 : i1 to i32
      %sign3A_481 = arith.constant 0 : i32
      %sign3A_482 = arith.cmpi slt, %jit3A_469, %sign3A_481 : i32
      %sign3A_483 = arith.extui %sign3A_482 : i1 to i32
      %sign3A_484 = arith.subi %sign3A_480, %sign3A_483 : i32
      %ne3A_485 = arith.cmpi ne, %sign3A_477, %sign3A_484 : i32
      %rem3A_486 = arith.remsi %add3A_450, %jit3A_469 : i32
      %ne3A_487 = arith.constant 0 : i32
      %ne3A_488 = arith.cmpi ne, %rem3A_486, %ne3A_487 : i32
      %and3A_489 = arith.andi %ne3A_485, %ne3A_488 : i1
      %sub3A_490 = arith.constant 1 : i32
      %sub3A_491 = arith.subi %div3A_470, %sub3A_490 : i32
      %select_n3A_492 = arith.select %and3A_489, %sub3A_491, %div3A_470 : i32
      %mul3A_493 = arith.constant 200 : i32
      %mul3A_494 = arith.muli %select_n3A_492, %mul3A_493 : i32
      %add3A_495 = arith.constant 0 : i32
      %add3A_496 = arith.addi %mul3A_494, %add3A_495 : i32
      %dma_start3A_497 = tpu.memref_slice %arg7[%add3A_496] : memref<25600xi32, #tpu.memory_space<vmem>> -> memref<104xi32, #tpu.memory_space<vmem>>
      %dma_start3A_498 = arith.constant 0 : i32
      %dma_start3A_499 = arith.constant 0 : i32
      %dma_start3A_500 = tpu.memref_slice %arg4[%dma_start3A_498, %dma_start3A_499] : memref<1000x16xf32, #tpu.memory_space<hbm>> -> memref<1000x16xf32, #tpu.memory_space<hbm>>
      tpu.enqueue_indirect_dma source(%dma_start3A_500 : memref<1000x16xf32, #tpu.memory_space<hbm>>) target(%arg11 : memref<104x16xf32, #tpu.memory_space<vmem>>) offsets(%dma_start3A_497 : memref<104xi32, #tpu.memory_space<vmem>>) semaphore(%arg19 : memref<!tpu.dma_semaphore, #tpu.memory_space<semaphore_mem>>)
      %dma_start3A_501 = tpu.memref_slice %arg8[%add3A_496] : memref<25600xi32, #tpu.memory_space<vmem>> -> memref<104xi32, #tpu.memory_space<vmem>>
      %dma_start3A_502 = arith.constant 0 : i32
      %dma_start3A_503 = arith.constant 0 : i32
      %dma_start3A_504 = tpu.memref_slice %arg5[%dma_start3A_502, %dma_start3A_503] : memref<100000x48xf32, #tpu.memory_space<hbm>> -> memref<100000x48xf32, #tpu.memory_space<hbm>>
      tpu.enqueue_indirect_dma source(%dma_start3A_504 : memref<100000x48xf32, #tpu.memory_space<hbm>>) target(%arg15 : memref<104x48xf32, #tpu.memory_space<vmem>>) offsets(%dma_start3A_501 : memref<104xi32, #tpu.memory_space<vmem>>) semaphore(%arg19 : memref<!tpu.dma_semaphore, #tpu.memory_space<semaphore_mem>>)
      %dma_wait3A_505 = arith.constant 0 : i32
      %dma_wait3A_506 = tpu.memref_slice %arg7[%dma_wait3A_505] : memref<25600xi32, #tpu.memory_space<vmem>> -> memref<104xi32, #tpu.memory_space<vmem>>
      %dma_wait3A_507 = arith.constant 0 : i32
      %dma_wait3A_508 = arith.constant 0 : i32
      %dma_wait3A_509 = tpu.memref_slice %arg4[%dma_wait3A_507, %dma_wait3A_508] : memref<1000x16xf32, #tpu.memory_space<hbm>> -> memref<1000x16xf32, #tpu.memory_space<hbm>>
      tpu.wait_indirect_dma semaphore(%arg17 : memref<!tpu.dma_semaphore, #tpu.memory_space<semaphore_mem>>) src(%dma_wait3A_509 : memref<1000x16xf32, #tpu.memory_space<hbm>>) dst(%arg9 : memref<104x16xf32, #tpu.memory_space<vmem>>)
      %dma_wait3A_510 = arith.constant 0 : i32
      %dma_wait3A_511 = tpu.memref_slice %arg8[%dma_wait3A_510] : memref<25600xi32, #tpu.memory_space<vmem>> -> memref<104xi32, #tpu.memory_space<vmem>>
      %dma_wait3A_512 = arith.constant 0 : i32
      %dma_wait3A_513 = arith.constant 0 : i32
      %dma_wait3A_514 = tpu.memref_slice %arg5[%dma_wait3A_512, %dma_wait3A_513] : memref<100000x48xf32, #tpu.memory_space<hbm>> -> memref<100000x48xf32, #tpu.memory_space<hbm>>
      tpu.wait_indirect_dma semaphore(%arg17 : memref<!tpu.dma_semaphore, #tpu.memory_space<semaphore_mem>>) src(%dma_wait3A_514 : memref<100000x48xf32, #tpu.memory_space<hbm>>) dst(%arg13 : memref<104x48xf32, #tpu.memory_space<vmem>>)
      %sub3A_515 = arith.constant 2 : i32
      %sub3A_516 = arith.subi %add3A_450, %sub3A_515 : i32
      %jit3A_517 = arith.constant 2 : i32
      %div3A_518 = arith.divsi %sub3A_516, %jit3A_517 : i32
      %sign3A_519 = arith.constant 0 : i32
      %sign3A_520 = arith.cmpi sgt, %sub3A_516, %sign3A_519 : i32
      %sign3A_521 = arith.extui %sign3A_520 : i1 to i32
      %sign3A_522 = arith.constant 0 : i32
      %sign3A_523 = arith.cmpi slt, %sub3A_516, %sign3A_522 : i32
      %sign3A_524 = arith.extui %sign3A_523 : i1 to i32
      %sign3A_525 = arith.subi %sign3A_521, %sign3A_524 : i32
      %sign3A_526 = arith.constant 0 : i32
      %sign3A_527 = arith.cmpi sgt, %jit3A_517, %sign3A_526 : i32
      %sign3A_528 = arith.extui %sign3A_527 : i1 to i32
      %sign3A_529 = arith.constant 0 : i32
      %sign3A_530 = arith.cmpi slt, %jit3A_517, %sign3A_529 : i32
      %sign3A_531 = arith.extui %sign3A_530 : i1 to i32
      %sign3A_532 = arith.subi %sign3A_528, %sign3A_531 : i32
      %ne3A_533 = arith.cmpi ne, %sign3A_525, %sign3A_532 : i32
      %rem3A_534 = arith.remsi %sub3A_516, %jit3A_517 : i32
      %ne3A_535 = arith.constant 0 : i32
      %ne3A_536 = arith.cmpi ne, %rem3A_534, %ne3A_535 : i32
      %and3A_537 = arith.andi %ne3A_533, %ne3A_536 : i1
      %sub3A_538 = arith.constant 1 : i32
      %sub3A_539 = arith.subi %div3A_518, %sub3A_538 : i32
      %select_n3A_540 = arith.select %and3A_537, %sub3A_539, %div3A_518 : i32
      %add3A_541 = arith.addi %mul3A_4, %select_n3A_540 : i32
      %dma_start3A_542 = arith.constant 0 : i32
      %dma_start3A_543 = arith.constant 0 : i32
      %dma_start3A_544 = tpu.memref_slice %arg6[%add3A_541, %dma_start3A_542, %dma_start3A_543] : memref<4096x200x64xf32, #tpu.memory_space<hbm>> -> memref<1x104x16xf32, #tpu.memory_space<hbm>>
      %dma_start3A_545 = tpu.memref_squeeze %dma_start3A_544 : memref<1x104x16xf32, #tpu.memory_space<hbm>> -> memref<104x16xf32, #tpu.memory_space<hbm>>
      %dma_start3A_546 = arith.constant 0 : i32
      %dma_start3A_547 = arith.constant 0 : i32
      %dma_start3A_548 = tpu.memref_slice %arg6[%add3A_541, %dma_start3A_546, %dma_start3A_547] : memref<4096x200x64xf32, #tpu.memory_space<hbm>> -> memref<1x104x16xf32, #tpu.memory_space<hbm>>
      %dma_start3A_549 = tpu.memref_squeeze %dma_start3A_548 : memref<1x104x16xf32, #tpu.memory_space<hbm>> -> memref<104x16xf32, #tpu.memory_space<hbm>>
      tpu.enqueue_dma source(%arg9 : memref<104x16xf32, #tpu.memory_space<vmem>>) target(%dma_start3A_549 : memref<104x16xf32, #tpu.memory_space<hbm>>) target_semaphore(%arg21 : memref<!tpu.dma_semaphore, #tpu.memory_space<semaphore_mem>>)
      %dma_start3A_550 = arith.constant 0 : i32
      %dma_start3A_551 = arith.constant 16 : i32
      %dma_start3A_552 = tpu.memref_slice %arg6[%add3A_541, %dma_start3A_550, %dma_start3A_551] : memref<4096x200x64xf32, #tpu.memory_space<hbm>> -> memref<1x104x48xf32, #tpu.memory_space<hbm>>
      %dma_start3A_553 = tpu.memref_squeeze %dma_start3A_552 : memref<1x104x48xf32, #tpu.memory_space<hbm>> -> memref<104x48xf32, #tpu.memory_space<hbm>>
      %dma_start3A_554 = arith.constant 0 : i32
      %dma_start3A_555 = arith.constant 16 : i32
      %dma_start3A_556 = tpu.memref_slice %arg6[%add3A_541, %dma_start3A_554, %dma_start3A_555] : memref<4096x200x64xf32, #tpu.memory_space<hbm>> -> memref<1x104x48xf32, #tpu.memory_space<hbm>>
      %dma_start3A_557 = tpu.memref_squeeze %dma_start3A_556 : memref<1x104x48xf32, #tpu.memory_space<hbm>> -> memref<104x48xf32, #tpu.memory_space<hbm>>
      tpu.enqueue_dma source(%arg13 : memref<104x48xf32, #tpu.memory_space<vmem>>) target(%dma_start3A_557 : memref<104x48xf32, #tpu.memory_space<hbm>>) target_semaphore(%arg21 : memref<!tpu.dma_semaphore, #tpu.memory_space<semaphore_mem>>)
      %mul3A_558 = arith.constant 4 : i32
      %mul3A_559 = arith.muli %scan3A_232, %mul3A_558 : i32
      %add3A_560 = arith.constant 3 : i32
      %add3A_561 = arith.addi %mul3A_559, %add3A_560 : i32
      %dma_wait3A_562 = arith.constant 0 : i32
      %dma_wait3A_563 = arith.constant 104 : i32
      %dma_wait3A_564 = arith.constant 0 : i32
      %dma_wait3A_565 = tpu.memref_slice %arg6[%dma_wait3A_562, %dma_wait3A_563, %dma_wait3A_564] : memref<4096x200x64xf32, #tpu.memory_space<hbm>> -> memref<1x96x16xf32, #tpu.memory_space<hbm>>
      %dma_wait3A_566 = tpu.memref_squeeze %dma_wait3A_565 : memref<1x96x16xf32, #tpu.memory_space<hbm>> -> memref<96x16xf32, #tpu.memory_space<hbm>>
      %dma_wait3A_567 = arith.constant 104 : i32
      %dma_wait3A_568 = arith.constant 0 : i32
      %dma_wait3A_569 = tpu.memref_slice %arg6[%dma_wait3A_562, %dma_wait3A_567, %dma_wait3A_568] : memref<4096x200x64xf32, #tpu.memory_space<hbm>> -> memref<1x96x16xf32, #tpu.memory_space<hbm>>
      %dma_wait3A_570 = tpu.memref_squeeze %dma_wait3A_569 : memref<1x96x16xf32, #tpu.memory_space<hbm>> -> memref<96x16xf32, #tpu.memory_space<hbm>>
      tpu.wait_dma2 semaphore(%arg24 : memref<!tpu.dma_semaphore, #tpu.memory_space<semaphore_mem>>) src(%arg12 : memref<96x16xf32, #tpu.memory_space<vmem>>) dst(%dma_wait3A_570 : memref<96x16xf32, #tpu.memory_space<hbm>>)
      %dma_wait3A_571 = arith.constant 0 : i32
      %dma_wait3A_572 = arith.constant 104 : i32
      %dma_wait3A_573 = arith.constant 16 : i32
      %dma_wait3A_574 = tpu.memref_slice %arg6[%dma_wait3A_571, %dma_wait3A_572, %dma_wait3A_573] : memref<4096x200x64xf32, #tpu.memory_space<hbm>> -> memref<1x96x48xf32, #tpu.memory_space<hbm>>
      %dma_wait3A_575 = tpu.memref_squeeze %dma_wait3A_574 : memref<1x96x48xf32, #tpu.memory_space<hbm>> -> memref<96x48xf32, #tpu.memory_space<hbm>>
      %dma_wait3A_576 = arith.constant 104 : i32
      %dma_wait3A_577 = arith.constant 16 : i32
      %dma_wait3A_578 = tpu.memref_slice %arg6[%dma_wait3A_571, %dma_wait3A_576, %dma_wait3A_577] : memref<4096x200x64xf32, #tpu.memory_space<hbm>> -> memref<1x96x48xf32, #tpu.memory_space<hbm>>
      %dma_wait3A_579 = tpu.memref_squeeze %dma_wait3A_578 : memref<1x96x48xf32, #tpu.memory_space<hbm>> -> memref<96x48xf32, #tpu.memory_space<hbm>>
      tpu.wait_dma2 semaphore(%arg24 : memref<!tpu.dma_semaphore, #tpu.memory_space<semaphore_mem>>) src(%arg16 : memref<96x48xf32, #tpu.memory_space<vmem>>) dst(%dma_wait3A_579 : memref<96x48xf32, #tpu.memory_space<hbm>>)
      %jit3A_580 = arith.constant 2 : i32
      %div3A_581 = arith.divsi %add3A_561, %jit3A_580 : i32
      %sign3A_582 = arith.constant 0 : i32
      %sign3A_583 = arith.cmpi sgt, %add3A_561, %sign3A_582 : i32
      %sign3A_584 = arith.extui %sign3A_583 : i1 to i32
      %sign3A_585 = arith.constant 0 : i32
      %sign3A_586 = arith.cmpi slt, %add3A_561, %sign3A_585 : i32
      %sign3A_587 = arith.extui %sign3A_586 : i1 to i32
      %sign3A_588 = arith.subi %sign3A_584, %sign3A_587 : i32
      %sign3A_589 = arith.constant 0 : i32
      %sign3A_590 = arith.cmpi sgt, %jit3A_580, %sign3A_589 : i32
      %sign3A_591 = arith.extui %sign3A_590 : i1 to i32
      %sign3A_592 = arith.constant 0 : i32
      %sign3A_593 = arith.cmpi slt, %jit3A_580, %sign3A_592 : i32
      %sign3A_594 = arith.extui %sign3A_593 : i1 to i32
      %sign3A_595 = arith.subi %sign3A_591, %sign3A_594 : i32
      %ne3A_596 = arith.cmpi ne, %sign3A_588, %sign3A_595 : i32
      %rem3A_597 = arith.remsi %add3A_561, %jit3A_580 : i32
      %ne3A_598 = arith.constant 0 : i32
      %ne3A_599 = arith.cmpi ne, %rem3A_597, %ne3A_598 : i32
      %and3A_600 = arith.andi %ne3A_596, %ne3A_599 : i1
      %sub3A_601 = arith.constant 1 : i32
      %sub3A_602 = arith.subi %div3A_581, %sub3A_601 : i32
      %select_n3A_603 = arith.select %and3A_600, %sub3A_602, %div3A_581 : i32
      %mul3A_604 = arith.constant 200 : i32
      %mul3A_605 = arith.muli %select_n3A_603, %mul3A_604 : i32
      %add3A_606 = arith.constant 104 : i32
      %add3A_607 = arith.addi %mul3A_605, %add3A_606 : i32
      %dma_start3A_608 = tpu.memref_slice %arg7[%add3A_607] : memref<25600xi32, #tpu.memory_space<vmem>> -> memref<96xi32, #tpu.memory_space<vmem>>
      %dma_start3A_609 = arith.constant 0 : i32
      %dma_start3A_610 = arith.constant 0 : i32
      %dma_start3A_611 = tpu.memref_slice %arg4[%dma_start3A_609, %dma_start3A_610] : memref<1000x16xf32, #tpu.memory_space<hbm>> -> memref<1000x16xf32, #tpu.memory_space<hbm>>
      tpu.enqueue_indirect_dma source(%dma_start3A_611 : memref<1000x16xf32, #tpu.memory_space<hbm>>) target(%arg12 : memref<96x16xf32, #tpu.memory_space<vmem>>) offsets(%dma_start3A_608 : memref<96xi32, #tpu.memory_space<vmem>>) semaphore(%arg20 : memref<!tpu.dma_semaphore, #tpu.memory_space<semaphore_mem>>)
      %dma_start3A_612 = tpu.memref_slice %arg8[%add3A_607] : memref<25600xi32, #tpu.memory_space<vmem>> -> memref<96xi32, #tpu.memory_space<vmem>>
      %dma_start3A_613 = arith.constant 0 : i32
      %dma_start3A_614 = arith.constant 0 : i32
      %dma_start3A_615 = tpu.memref_slice %arg5[%dma_start3A_613, %dma_start3A_614] : memref<100000x48xf32, #tpu.memory_space<hbm>> -> memref<100000x48xf32, #tpu.memory_space<hbm>>
      tpu.enqueue_indirect_dma source(%dma_start3A_615 : memref<100000x48xf32, #tpu.memory_space<hbm>>) target(%arg16 : memref<96x48xf32, #tpu.memory_space<vmem>>) offsets(%dma_start3A_612 : memref<96xi32, #tpu.memory_space<vmem>>) semaphore(%arg20 : memref<!tpu.dma_semaphore, #tpu.memory_space<semaphore_mem>>)
      %dma_wait3A_616 = arith.constant 0 : i32
      %dma_wait3A_617 = tpu.memref_slice %arg7[%dma_wait3A_616] : memref<25600xi32, #tpu.memory_space<vmem>> -> memref<96xi32, #tpu.memory_space<vmem>>
      %dma_wait3A_618 = arith.constant 0 : i32
      %dma_wait3A_619 = arith.constant 0 : i32
      %dma_wait3A_620 = tpu.memref_slice %arg4[%dma_wait3A_618, %dma_wait3A_619] : memref<1000x16xf32, #tpu.memory_space<hbm>> -> memref<1000x16xf32, #tpu.memory_space<hbm>>
      tpu.wait_indirect_dma semaphore(%arg18 : memref<!tpu.dma_semaphore, #tpu.memory_space<semaphore_mem>>) src(%dma_wait3A_620 : memref<1000x16xf32, #tpu.memory_space<hbm>>) dst(%arg10 : memref<96x16xf32, #tpu.memory_space<vmem>>)
      %dma_wait3A_621 = arith.constant 0 : i32
      %dma_wait3A_622 = tpu.memref_slice %arg8[%dma_wait3A_621] : memref<25600xi32, #tpu.memory_space<vmem>> -> memref<96xi32, #tpu.memory_space<vmem>>
      %dma_wait3A_623 = arith.constant 0 : i32
      %dma_wait3A_624 = arith.constant 0 : i32
      %dma_wait3A_625 = tpu.memref_slice %arg5[%dma_wait3A_623, %dma_wait3A_624] : memref<100000x48xf32, #tpu.memory_space<hbm>> -> memref<100000x48xf32, #tpu.memory_space<hbm>>
      tpu.wait_indirect_dma semaphore(%arg18 : memref<!tpu.dma_semaphore, #tpu.memory_space<semaphore_mem>>) src(%dma_wait3A_625 : memref<100000x48xf32, #tpu.memory_space<hbm>>) dst(%arg14 : memref<96x48xf32, #tpu.memory_space<vmem>>)
      %sub3A_626 = arith.constant 2 : i32
      %sub3A_627 = arith.subi %add3A_561, %sub3A_626 : i32
      %jit3A_628 = arith.constant 2 : i32
      %div3A_629 = arith.divsi %sub3A_627, %jit3A_628 : i32
      %sign3A_630 = arith.constant 0 : i32
      %sign3A_631 = arith.cmpi sgt, %sub3A_627, %sign3A_630 : i32
      %sign3A_632 = arith.extui %sign3A_631 : i1 to i32
      %sign3A_633 = arith.constant 0 : i32
      %sign3A_634 = arith.cmpi slt, %sub3A_627, %sign3A_633 : i32
      %sign3A_635 = arith.extui %sign3A_634 : i1 to i32
      %sign3A_636 = arith.subi %sign3A_632, %sign3A_635 : i32
      %sign3A_637 = arith.constant 0 : i32
      %sign3A_638 = arith.cmpi sgt, %jit3A_628, %sign3A_637 : i32
      %sign3A_639 = arith.extui %sign3A_638 : i1 to i32
      %sign3A_640 = arith.constant 0 : i32
      %sign3A_641 = arith.cmpi slt, %jit3A_628, %sign3A_640 : i32
      %sign3A_642 = arith.extui %sign3A_641 : i1 to i32
      %sign3A_643 = arith.subi %sign3A_639, %sign3A_642 : i32
      %ne3A_644 = arith.cmpi ne, %sign3A_636, %sign3A_643 : i32
      %rem3A_645 = arith.remsi %sub3A_627, %jit3A_628 : i32
      %ne3A_646 = arith.constant 0 : i32
      %ne3A_647 = arith.cmpi ne, %rem3A_645, %ne3A_646 : i32
      %and3A_648 = arith.andi %ne3A_644, %ne3A_647 : i1
      %sub3A_649 = arith.constant 1 : i32
      %sub3A_650 = arith.subi %div3A_629, %sub3A_649 : i32
      %select_n3A_651 = arith.select %and3A_648, %sub3A_650, %div3A_629 : i32
      %add3A_652 = arith.addi %mul3A_4, %select_n3A_651 : i32
      %dma_start3A_653 = arith.constant 104 : i32
      %dma_start3A_654 = arith.constant 0 : i32
      %dma_start3A_655 = tpu.memref_slice %arg6[%add3A_652, %dma_start3A_653, %dma_start3A_654] : memref<4096x200x64xf32, #tpu.memory_space<hbm>> -> memref<1x96x16xf32, #tpu.memory_space<hbm>>
      %dma_start3A_656 = tpu.memref_squeeze %dma_start3A_655 : memref<1x96x16xf32, #tpu.memory_space<hbm>> -> memref<96x16xf32, #tpu.memory_space<hbm>>
      %dma_start3A_657 = arith.constant 104 : i32
      %dma_start3A_658 = arith.constant 0 : i32
      %dma_start3A_659 = tpu.memref_slice %arg6[%add3A_652, %dma_start3A_657, %dma_start3A_658] : memref<4096x200x64xf32, #tpu.memory_space<hbm>> -> memref<1x96x16xf32, #tpu.memory_space<hbm>>
      %dma_start3A_660 = tpu.memref_squeeze %dma_start3A_659 : memref<1x96x16xf32, #tpu.memory_space<hbm>> -> memref<96x16xf32, #tpu.memory_space<hbm>>
      tpu.enqueue_dma source(%arg10 : memref<96x16xf32, #tpu.memory_space<vmem>>) target(%dma_start3A_660 : memref<96x16xf32, #tpu.memory_space<hbm>>) target_semaphore(%arg22 : memref<!tpu.dma_semaphore, #tpu.memory_space<semaphore_mem>>)
      %dma_start3A_661 = arith.constant 104 : i32
      %dma_start3A_662 = arith.constant 16 : i32
      %dma_start3A_663 = tpu.memref_slice %arg6[%add3A_652, %dma_start3A_661, %dma_start3A_662] : memref<4096x200x64xf32, #tpu.memory_space<hbm>> -> memref<1x96x48xf32, #tpu.memory_space<hbm>>
      %dma_start3A_664 = tpu.memref_squeeze %dma_start3A_663 : memref<1x96x48xf32, #tpu.memory_space<hbm>> -> memref<96x48xf32, #tpu.memory_space<hbm>>
      %dma_start3A_665 = arith.constant 104 : i32
      %dma_start3A_666 = arith.constant 16 : i32
      %dma_start3A_667 = tpu.memref_slice %arg6[%add3A_652, %dma_start3A_665, %dma_start3A_666] : memref<4096x200x64xf32, #tpu.memory_space<hbm>> -> memref<1x96x48xf32, #tpu.memory_space<hbm>>
      %dma_start3A_668 = tpu.memref_squeeze %dma_start3A_667 : memref<1x96x48xf32, #tpu.memory_space<hbm>> -> memref<96x48xf32, #tpu.memory_space<hbm>>
      tpu.enqueue_dma source(%arg14 : memref<96x48xf32, #tpu.memory_space<vmem>>) target(%dma_start3A_668 : memref<96x48xf32, #tpu.memory_space<hbm>>) target_semaphore(%arg22 : memref<!tpu.dma_semaphore, #tpu.memory_space<semaphore_mem>>)
    }
    %scan3A_103 = arith.constant 63 : i32
    %dma_wait3A_104 = arith.constant 0 : i32
    %dma_wait3A_105 = tpu.memref_slice %arg7[%dma_wait3A_104] : memref<25600xi32, #tpu.memory_space<vmem>> -> memref<104xi32, #tpu.memory_space<vmem>>
    %dma_wait3A_106 = arith.constant 0 : i32
    %dma_wait3A_107 = arith.constant 0 : i32
    %dma_wait3A_108 = tpu.memref_slice %arg4[%dma_wait3A_106, %dma_wait3A_107] : memref<1000x16xf32, #tpu.memory_space<hbm>> -> memref<1000x16xf32, #tpu.memory_space<hbm>>
    tpu.wait_indirect_dma semaphore(%arg19 : memref<!tpu.dma_semaphore, #tpu.memory_space<semaphore_mem>>) src(%dma_wait3A_108 : memref<1000x16xf32, #tpu.memory_space<hbm>>) dst(%arg11 : memref<104x16xf32, #tpu.memory_space<vmem>>)
    %dma_wait3A_109 = arith.constant 0 : i32
    %dma_wait3A_110 = tpu.memref_slice %arg8[%dma_wait3A_109] : memref<25600xi32, #tpu.memory_space<vmem>> -> memref<104xi32, #tpu.memory_space<vmem>>
    %dma_wait3A_111 = arith.constant 0 : i32
    %dma_wait3A_112 = arith.constant 0 : i32
    %dma_wait3A_113 = tpu.memref_slice %arg5[%dma_wait3A_111, %dma_wait3A_112] : memref<100000x48xf32, #tpu.memory_space<hbm>> -> memref<100000x48xf32, #tpu.memory_space<hbm>>
    tpu.wait_indirect_dma semaphore(%arg19 : memref<!tpu.dma_semaphore, #tpu.memory_space<semaphore_mem>>) src(%dma_wait3A_113 : memref<100000x48xf32, #tpu.memory_space<hbm>>) dst(%arg15 : memref<104x48xf32, #tpu.memory_space<vmem>>)
    %add3A_114 = arith.constant 127 : i32
    %add3A_115 = arith.addi %mul3A_4, %add3A_114 : i32
    %dma_start3A_116 = arith.constant 0 : i32
    %dma_start3A_117 = arith.constant 0 : i32
    %dma_start3A_118 = tpu.memref_slice %arg6[%add3A_115, %dma_start3A_116, %dma_start3A_117] : memref<4096x200x64xf32, #tpu.memory_space<hbm>> -> memref<1x104x16xf32, #tpu.memory_space<hbm>>
    %dma_start3A_119 = tpu.memref_squeeze %dma_start3A_118 : memref<1x104x16xf32, #tpu.memory_space<hbm>> -> memref<104x16xf32, #tpu.memory_space<hbm>>
    %dma_start3A_120 = arith.constant 0 : i32
    %dma_start3A_121 = arith.constant 0 : i32
    %dma_start3A_122 = tpu.memref_slice %arg6[%add3A_115, %dma_start3A_120, %dma_start3A_121] : memref<4096x200x64xf32, #tpu.memory_space<hbm>> -> memref<1x104x16xf32, #tpu.memory_space<hbm>>
    %dma_start3A_123 = tpu.memref_squeeze %dma_start3A_122 : memref<1x104x16xf32, #tpu.memory_space<hbm>> -> memref<104x16xf32, #tpu.memory_space<hbm>>
    tpu.enqueue_dma source(%arg11 : memref<104x16xf32, #tpu.memory_space<vmem>>) target(%dma_start3A_123 : memref<104x16xf32, #tpu.memory_space<hbm>>) target_semaphore(%arg23 : memref<!tpu.dma_semaphore, #tpu.memory_space<semaphore_mem>>)
    %dma_start3A_124 = arith.constant 0 : i32
    %dma_start3A_125 = arith.constant 16 : i32
    %dma_start3A_126 = tpu.memref_slice %arg6[%add3A_115, %dma_start3A_124, %dma_start3A_125] : memref<4096x200x64xf32, #tpu.memory_space<hbm>> -> memref<1x104x48xf32, #tpu.memory_space<hbm>>
    %dma_start3A_127 = tpu.memref_squeeze %dma_start3A_126 : memref<1x104x48xf32, #tpu.memory_space<hbm>> -> memref<104x48xf32, #tpu.memory_space<hbm>>
    %dma_start3A_128 = arith.constant 0 : i32
    %dma_start3A_129 = arith.constant 16 : i32
    %dma_start3A_130 = tpu.memref_slice %arg6[%add3A_115, %dma_start3A_128, %dma_start3A_129] : memref<4096x200x64xf32, #tpu.memory_space<hbm>> -> memref<1x104x48xf32, #tpu.memory_space<hbm>>
    %dma_start3A_131 = tpu.memref_squeeze %dma_start3A_130 : memref<1x104x48xf32, #tpu.memory_space<hbm>> -> memref<104x48xf32, #tpu.memory_space<hbm>>
    tpu.enqueue_dma source(%arg15 : memref<104x48xf32, #tpu.memory_space<vmem>>) target(%dma_start3A_131 : memref<104x48xf32, #tpu.memory_space<hbm>>) target_semaphore(%arg23 : memref<!tpu.dma_semaphore, #tpu.memory_space<semaphore_mem>>)
    %dma_wait3A_132 = arith.constant 0 : i32
    %dma_wait3A_133 = tpu.memref_slice %arg7[%dma_wait3A_132] : memref<25600xi32, #tpu.memory_space<vmem>> -> memref<96xi32, #tpu.memory_space<vmem>>
    %dma_wait3A_134 = arith.constant 0 : i32
    %dma_wait3A_135 = arith.constant 0 : i32
    %dma_wait3A_136 = tpu.memref_slice %arg4[%dma_wait3A_134, %dma_wait3A_135] : memref<1000x16xf32, #tpu.memory_space<hbm>> -> memref<1000x16xf32, #tpu.memory_space<hbm>>
    tpu.wait_indirect_dma semaphore(%arg20 : memref<!tpu.dma_semaphore, #tpu.memory_space<semaphore_mem>>) src(%dma_wait3A_136 : memref<1000x16xf32, #tpu.memory_space<hbm>>) dst(%arg12 : memref<96x16xf32, #tpu.memory_space<vmem>>)
    %dma_wait3A_137 = arith.constant 0 : i32
    %dma_wait3A_138 = tpu.memref_slice %arg8[%dma_wait3A_137] : memref<25600xi32, #tpu.memory_space<vmem>> -> memref<96xi32, #tpu.memory_space<vmem>>
    %dma_wait3A_139 = arith.constant 0 : i32
    %dma_wait3A_140 = arith.constant 0 : i32
    %dma_wait3A_141 = tpu.memref_slice %arg5[%dma_wait3A_139, %dma_wait3A_140] : memref<100000x48xf32, #tpu.memory_space<hbm>> -> memref<100000x48xf32, #tpu.memory_space<hbm>>
    tpu.wait_indirect_dma semaphore(%arg20 : memref<!tpu.dma_semaphore, #tpu.memory_space<semaphore_mem>>) src(%dma_wait3A_141 : memref<100000x48xf32, #tpu.memory_space<hbm>>) dst(%arg16 : memref<96x48xf32, #tpu.memory_space<vmem>>)
    %add3A_142 = arith.constant 127 : i32
    %add3A_143 = arith.addi %mul3A_4, %add3A_142 : i32
    %dma_start3A_144 = arith.constant 104 : i32
    %dma_start3A_145 = arith.constant 0 : i32
    %dma_start3A_146 = tpu.memref_slice %arg6[%add3A_143, %dma_start3A_144, %dma_start3A_145] : memref<4096x200x64xf32, #tpu.memory_space<hbm>> -> memref<1x96x16xf32, #tpu.memory_space<hbm>>
    %dma_start3A_147 = tpu.memref_squeeze %dma_start3A_146 : memref<1x96x16xf32, #tpu.memory_space<hbm>> -> memref<96x16xf32, #tpu.memory_space<hbm>>
    %dma_start3A_148 = arith.constant 104 : i32
    %dma_start3A_149 = arith.constant 0 : i32
    %dma_start3A_150 = tpu.memref_slice %arg6[%add3A_143, %dma_start3A_148, %dma_start3A_149] : memref<4096x200x64xf32, #tpu.memory_space<hbm>> -> memref<1x96x16xf32, #tpu.memory_space<hbm>>
    %dma_start3A_151 = tpu.memref_squeeze %dma_start3A_150 : memref<1x96x16xf32, #tpu.memory_space<hbm>> -> memref<96x16xf32, #tpu.memory_space<hbm>>
    tpu.enqueue_dma source(%arg12 : memref<96x16xf32, #tpu.memory_space<vmem>>) target(%dma_start3A_151 : memref<96x16xf32, #tpu.memory_space<hbm>>) target_semaphore(%arg24 : memref<!tpu.dma_semaphore, #tpu.memory_space<semaphore_mem>>)
    %dma_start3A_152 = arith.constant 104 : i32
    %dma_start3A_153 = arith.constant 16 : i32
    %dma_start3A_154 = tpu.memref_slice %arg6[%add3A_143, %dma_start3A_152, %dma_start3A_153] : memref<4096x200x64xf32, #tpu.memory_space<hbm>> -> memref<1x96x48xf32, #tpu.memory_space<hbm>>
    %dma_start3A_155 = tpu.memref_squeeze %dma_start3A_154 : memref<1x96x48xf32, #tpu.memory_space<hbm>> -> memref<96x48xf32, #tpu.memory_space<hbm>>
    %dma_start3A_156 = arith.constant 104 : i32
    %dma_start3A_157 = arith.constant 16 : i32
    %dma_start3A_158 = tpu.memref_slice %arg6[%add3A_143, %dma_start3A_156, %dma_start3A_157] : memref<4096x200x64xf32, #tpu.memory_space<hbm>> -> memref<1x96x48xf32, #tpu.memory_space<hbm>>
    %dma_start3A_159 = tpu.memref_squeeze %dma_start3A_158 : memref<1x96x48xf32, #tpu.memory_space<hbm>> -> memref<96x48xf32, #tpu.memory_space<hbm>>
    tpu.enqueue_dma source(%arg16 : memref<96x48xf32, #tpu.memory_space<vmem>>) target(%dma_start3A_159 : memref<96x48xf32, #tpu.memory_space<hbm>>) target_semaphore(%arg24 : memref<!tpu.dma_semaphore, #tpu.memory_space<semaphore_mem>>)
    %dma_wait3A_160 = arith.constant 0 : i32
    %dma_wait3A_161 = arith.constant 0 : i32
    %dma_wait3A_162 = arith.constant 0 : i32
    %dma_wait3A_163 = tpu.memref_slice %arg6[%dma_wait3A_160, %dma_wait3A_161, %dma_wait3A_162] : memref<4096x200x64xf32, #tpu.memory_space<hbm>> -> memref<1x104x16xf32, #tpu.memory_space<hbm>>
    %dma_wait3A_164 = tpu.memref_squeeze %dma_wait3A_163 : memref<1x104x16xf32, #tpu.memory_space<hbm>> -> memref<104x16xf32, #tpu.memory_space<hbm>>
    %dma_wait3A_165 = arith.constant 0 : i32
    %dma_wait3A_166 = arith.constant 0 : i32
    %dma_wait3A_167 = tpu.memref_slice %arg6[%dma_wait3A_160, %dma_wait3A_165, %dma_wait3A_166] : memref<4096x200x64xf32, #tpu.memory_space<hbm>> -> memref<1x104x16xf32, #tpu.memory_space<hbm>>
    %dma_wait3A_168 = tpu.memref_squeeze %dma_wait3A_167 : memref<1x104x16xf32, #tpu.memory_space<hbm>> -> memref<104x16xf32, #tpu.memory_space<hbm>>
    tpu.wait_dma2 semaphore(%arg21 : memref<!tpu.dma_semaphore, #tpu.memory_space<semaphore_mem>>) src(%arg9 : memref<104x16xf32, #tpu.memory_space<vmem>>) dst(%dma_wait3A_168 : memref<104x16xf32, #tpu.memory_space<hbm>>)
    %dma_wait3A_169 = arith.constant 0 : i32
    %dma_wait3A_170 = arith.constant 0 : i32
    %dma_wait3A_171 = arith.constant 16 : i32
    %dma_wait3A_172 = tpu.memref_slice %arg6[%dma_wait3A_169, %dma_wait3A_170, %dma_wait3A_171] : memref<4096x200x64xf32, #tpu.memory_space<hbm>> -> memref<1x104x48xf32, #tpu.memory_space<hbm>>
    %dma_wait3A_173 = tpu.memref_squeeze %dma_wait3A_172 : memref<1x104x48xf32, #tpu.memory_space<hbm>> -> memref<104x48xf32, #tpu.memory_space<hbm>>
    %dma_wait3A_174 = arith.constant 0 : i32
    %dma_wait3A_175 = arith.constant 16 : i32
    %dma_wait3A_176 = tpu.memref_slice %arg6[%dma_wait3A_169, %dma_wait3A_174, %dma_wait3A_175] : memref<4096x200x64xf32, #tpu.memory_space<hbm>> -> memref<1x104x48xf32, #tpu.memory_space<hbm>>
    %dma_wait3A_177 = tpu.memref_squeeze %dma_wait3A_176 : memref<1x104x48xf32, #tpu.memory_space<hbm>> -> memref<104x48xf32, #tpu.memory_space<hbm>>
    tpu.wait_dma2 semaphore(%arg21 : memref<!tpu.dma_semaphore, #tpu.memory_space<semaphore_mem>>) src(%arg13 : memref<104x48xf32, #tpu.memory_space<vmem>>) dst(%dma_wait3A_177 : memref<104x48xf32, #tpu.memory_space<hbm>>)
    %dma_wait3A_178 = arith.constant 0 : i32
    %dma_wait3A_179 = arith.constant 104 : i32
    %dma_wait3A_180 = arith.constant 0 : i32
    %dma_wait3A_181 = tpu.memref_slice %arg6[%dma_wait3A_178, %dma_wait3A_179, %dma_wait3A_180] : memref<4096x200x64xf32, #tpu.memory_space<hbm>> -> memref<1x96x16xf32, #tpu.memory_space<hbm>>
    %dma_wait3A_182 = tpu.memref_squeeze %dma_wait3A_181 : memref<1x96x16xf32, #tpu.memory_space<hbm>> -> memref<96x16xf32, #tpu.memory_space<hbm>>
    %dma_wait3A_183 = arith.constant 104 : i32
    %dma_wait3A_184 = arith.constant 0 : i32
    %dma_wait3A_185 = tpu.memref_slice %arg6[%dma_wait3A_178, %dma_wait3A_183, %dma_wait3A_184] : memref<4096x200x64xf32, #tpu.memory_space<hbm>> -> memref<1x96x16xf32, #tpu.memory_space<hbm>>
    %dma_wait3A_186 = tpu.memref_squeeze %dma_wait3A_185 : memref<1x96x16xf32, #tpu.memory_space<hbm>> -> memref<96x16xf32, #tpu.memory_space<hbm>>
    tpu.wait_dma2 semaphore(%arg22 : memref<!tpu.dma_semaphore, #tpu.memory_space<semaphore_mem>>) src(%arg10 : memref<96x16xf32, #tpu.memory_space<vmem>>) dst(%dma_wait3A_186 : memref<96x16xf32, #tpu.memory_space<hbm>>)
    %dma_wait3A_187 = arith.constant 0 : i32
    %dma_wait3A_188 = arith.constant 104 : i32
    %dma_wait3A_189 = arith.constant 16 : i32
    %dma_wait3A_190 = tpu.memref_slice %arg6[%dma_wait3A_187, %dma_wait3A_188, %dma_wait3A_189] : memref<4096x200x64xf32, #tpu.memory_space<hbm>> -> memref<1x96x48xf32, #tpu.memory_space<hbm>>
    %dma_wait3A_191 = tpu.memref_squeeze %dma_wait3A_190 : memref<1x96x48xf32, #tpu.memory_space<hbm>> -> memref<96x48xf32, #tpu.memory_space<hbm>>
    %dma_wait3A_192 = arith.constant 104 : i32
    %dma_wait3A_193 = arith.constant 16 : i32
    %dma_wait3A_194 = tpu.memref_slice %arg6[%dma_wait3A_187, %dma_wait3A_192, %dma_wait3A_193] : memref<4096x200x64xf32, #tpu.memory_space<hbm>> -> memref<1x96x48xf32, #tpu.memory_space<hbm>>
    %dma_wait3A_195 = tpu.memref_squeeze %dma_wait3A_194 : memref<1x96x48xf32, #tpu.memory_space<hbm>> -> memref<96x48xf32, #tpu.memory_space<hbm>>
    tpu.wait_dma2 semaphore(%arg22 : memref<!tpu.dma_semaphore, #tpu.memory_space<semaphore_mem>>) src(%arg14 : memref<96x48xf32, #tpu.memory_space<vmem>>) dst(%dma_wait3A_195 : memref<96x48xf32, #tpu.memory_space<hbm>>)
    %dma_wait3A_196 = arith.constant 0 : i32
    %dma_wait3A_197 = arith.constant 0 : i32
    %dma_wait3A_198 = arith.constant 0 : i32
    %dma_wait3A_199 = tpu.memref_slice %arg6[%dma_wait3A_196, %dma_wait3A_197, %dma_wait3A_198] : memref<4096x200x64xf32, #tpu.memory_space<hbm>> -> memref<1x104x16xf32, #tpu.memory_space<hbm>>
    %dma_wait3A_200 = tpu.memref_squeeze %dma_wait3A_199 : memref<1x104x16xf32, #tpu.memory_space<hbm>> -> memref<104x16xf32, #tpu.memory_space<hbm>>
    %dma_wait3A_201 = arith.constant 0 : i32
    %dma_wait3A_202 = arith.constant 0 : i32
    %dma_wait3A_203 = tpu.memref_slice %arg6[%dma_wait3A_196, %dma_wait3A_201, %dma_wait3A_202] : memref<4096x200x64xf32, #tpu.memory_space<hbm>> -> memref<1x104x16xf32, #tpu.memory_space<hbm>>
    %dma_wait3A_204 = tpu.memref_squeeze %dma_wait3A_203 : memref<1x104x16xf32, #tpu.memory_space<hbm>> -> memref<104x16xf32, #tpu.memory_space<hbm>>
    tpu.wait_dma2 semaphore(%arg23 : memref<!tpu.dma_semaphore, #tpu.memory_space<semaphore_mem>>) src(%arg11 : memref<104x16xf32, #tpu.memory_space<vmem>>) dst(%dma_wait3A_204 : memref<104x16xf32, #tpu.memory_space<hbm>>)
    %dma_wait3A_205 = arith.constant 0 : i32
    %dma_wait3A_206 = arith.constant 0 : i32
    %dma_wait3A_207 = arith.constant 16 : i32
    %dma_wait3A_208 = tpu.memref_slice %arg6[%dma_wait3A_205, %dma_wait3A_206, %dma_wait3A_207] : memref<4096x200x64xf32, #tpu.memory_space<hbm>> -> memref<1x104x48xf32, #tpu.memory_space<hbm>>
    %dma_wait3A_209 = tpu.memref_squeeze %dma_wait3A_208 : memref<1x104x48xf32, #tpu.memory_space<hbm>> -> memref<104x48xf32, #tpu.memory_space<hbm>>
    %dma_wait3A_210 = arith.constant 0 : i32
    %dma_wait3A_211 = arith.constant 16 : i32
    %dma_wait3A_212 = tpu.memref_slice %arg6[%dma_wait3A_205, %dma_wait3A_210, %dma_wait3A_211] : memref<4096x200x64xf32, #tpu.memory_space<hbm>> -> memref<1x104x48xf32, #tpu.memory_space<hbm>>
    %dma_wait3A_213 = tpu.memref_squeeze %dma_wait3A_212 : memref<1x104x48xf32, #tpu.memory_space<hbm>> -> memref<104x48xf32, #tpu.memory_space<hbm>>
    tpu.wait_dma2 semaphore(%arg23 : memref<!tpu.dma_semaphore, #tpu.memory_space<semaphore_mem>>) src(%arg15 : memref<104x48xf32, #tpu.memory_space<vmem>>) dst(%dma_wait3A_213 : memref<104x48xf32, #tpu.memory_space<hbm>>)
    %dma_wait3A_214 = arith.constant 0 : i32
    %dma_wait3A_215 = arith.constant 104 : i32
    %dma_wait3A_216 = arith.constant 0 : i32
    %dma_wait3A_217 = tpu.memref_slice %arg6[%dma_wait3A_214, %dma_wait3A_215, %dma_wait3A_216] : memref<4096x200x64xf32, #tpu.memory_space<hbm>> -> memref<1x96x16xf32, #tpu.memory_space<hbm>>
    %dma_wait3A_218 = tpu.memref_squeeze %dma_wait3A_217 : memref<1x96x16xf32, #tpu.memory_space<hbm>> -> memref<96x16xf32, #tpu.memory_space<hbm>>
    %dma_wait3A_219 = arith.constant 104 : i32
    %dma_wait3A_220 = arith.constant 0 : i32
    %dma_wait3A_221 = tpu.memref_slice %arg6[%dma_wait3A_214, %dma_wait3A_219, %dma_wait3A_220] : memref<4096x200x64xf32, #tpu.memory_space<hbm>> -> memref<1x96x16xf32, #tpu.memory_space<hbm>>
    %dma_wait3A_222 = tpu.memref_squeeze %dma_wait3A_221 : memref<1x96x16xf32, #tpu.memory_space<hbm>> -> memref<96x16xf32, #tpu.memory_space<hbm>>
    tpu.wait_dma2 semaphore(%arg24 : memref<!tpu.dma_semaphore, #tpu.memory_space<semaphore_mem>>) src(%arg12 : memref<96x16xf32, #tpu.memory_space<vmem>>) dst(%dma_wait3A_222 : memref<96x16xf32, #tpu.memory_space<hbm>>)
    %dma_wait3A_223 = arith.constant 0 : i32
    %dma_wait3A_224 = arith.constant 104 : i32
    %dma_wait3A_225 = arith.constant 16 : i32
    %dma_wait3A_226 = tpu.memref_slice %arg6[%dma_wait3A_223, %dma_wait3A_224, %dma_wait3A_225] : memref<4096x200x64xf32, #tpu.memory_space<hbm>> -> memref<1x96x48xf32, #tpu.memory_space<hbm>>
    %dma_wait3A_227 = tpu.memref_squeeze %dma_wait3A_226 : memref<1x96x48xf32, #tpu.memory_space<hbm>> -> memref<96x48xf32, #tpu.memory_space<hbm>>
    %dma_wait3A_228 = arith.constant 104 : i32
    %dma_wait3A_229 = arith.constant 16 : i32
    %dma_wait3A_230 = tpu.memref_slice %arg6[%dma_wait3A_223, %dma_wait3A_228, %dma_wait3A_229] : memref<4096x200x64xf32, #tpu.memory_space<hbm>> -> memref<1x96x48xf32, #tpu.memory_space<hbm>>
    %dma_wait3A_231 = tpu.memref_squeeze %dma_wait3A_230 : memref<1x96x48xf32, #tpu.memory_space<hbm>> -> memref<96x48xf32, #tpu.memory_space<hbm>>
    tpu.wait_dma2 semaphore(%arg24 : memref<!tpu.dma_semaphore, #tpu.memory_space<semaphore_mem>>) src(%arg16 : memref<96x48xf32, #tpu.memory_space<vmem>>) dst(%dma_wait3A_231 : memref<96x48xf32, #tpu.memory_space<hbm>>)
    return
  }
}

</mosaic_0001>

<sc_bundles>
// kernel: _encode.3.cloned.1.call-start
scs
__scs_entry_jumppad:
0x0: {  	(pc) =	sbr.rel $0x88, $3  }
0x1: {  	(tag) =	ssettag $0x0;
	lr =	simm.s32 $0x1  }
0x2: {  	[smem:$0x3F9D] =	sst lr;
	_ =	strace $0xD0000000  }
0x3: {  	_ = 	snop  }
0x4: {  	_ = 	snop  }
0x5: {  	_ = 	snop  }
0x6: {  	_ = 	snop  }
0x7: {  	_ = 	snop  }
__scs_overlays_trampoline_lowered:
0x8: {  	[smem:$0x3FAC] =	sst s0  }
0x9: {  	[smem:$0x3FAD] =	sst s1  }
0xa: {  	[smem:$0x3FAE] =	sst s2  }
0xb: {  	[smem:$0x3FAF] =	sst s3  }
0xc: {  	[smem:$0x3FB0] =	sst s4  }
0xd: {  	[smem:$0x3FB1] =	sst s5  }
0xe: {  	[smem:$0x3FB2] =	sst s6  }
0xf: {  	[smem:$0x3FB3] =	sst s7  }
0x10: {  	[smem:$0x3FB4] =	sst s8  }
0x11: {  	[smem:$0x3FB5] =	sst s9;
	s0 =	simm.s32 @!p0 $0x0  }
0x12: {  	s1 =	sld [smem:$0x3F9B];
	s0 =	simm.s32 @p0 $0x1  }
0x13: {  	[smem:$0x3FB6] =	sst s0;
	s0 =	simm.s32 @!p1 $0x0  }
0x14: {  	s2 =	sld [smem:$0x3F9A];
	s0 =	simm.s32 @p1 $0x1  }
0x15: {  	[smem:$0x3FB7] =	sst s0;
	s0 =	simm.s32 @!p2 $0x0  }
0x16: {  	s3 =	sld [smem:$0x3FDB];
	s0 =	simm.s32 @p2 $0x1  }
0x17: {  	s4 =	simm.s32 $0x1BF5;
	[smem:$0x3FB9] =	sst s0  }
0x18: {  	s0 =	sld [smem:$0x3F9C];
	_ =	swait.ge [sflag:s4], $0x0  }
0x19: {  	s7 =	sld [smem:$0x3F9D]  }
0x1a: {  	s8 =	sadd.s32 $0xFFFFE003, lr  }
0x1b: {  	s9 =	sadd.s32 $0xFFFFFEF7, lr;
	s5 =	simm.s32 $0xFFFFFFFF;
	p2 =	slt.u32 s8, $0xFFFFF086  }
0x1c: {  	p1 =	slt.u32 s9, $0xF7A;
	s5 =	simm.s32 @!p2 $0x0  }
0x1d: {  	s5 =	simm.s32 @p1 $0x1;
	p0 =	seq.s32 s7, s2  }
0x1e: {  	s7 =	smul.u32 @!p0 $0xF7A, s2;
	p2 =	seq.s32 @!p0 s5, $0x0  }
0x1f: {  	s9 =	smul.u32 $0xF7A, s1;
	s8 =	simm.s32 @!p0 $0x1BF5;
	p2 =	por !p2, p0  }
0x20: {  	[sflag:s8] =	ssyncset.s32 @!p0 $0xFFFFF086;
	s6 =	sadd.s32 @!p0 s3, s7;
	s7 =	simm.s32 @!p0 $0x108  }
0x21: {  	s3 =	sadd.s32 s3, s9;
	s6 =	sadd.s32 @!p0 $0x88, s6;
	s7 =	simm.s32 @p2 $0x1082  }
0x22: {  	[simem:s7], [sflag:s8] =	dma.local @!p0 [hbm:s6], $0xF7A  }
0x23: {  	s9 =	sor.u32 $0xD0000000, s2;
	s6 =	simm.s32 $0x108;
	_ =	swait.ge @!p0 [sflag:s8], $0x0  }
0x24: {  	s3 =	sadd.s32 $0x88, s3;
	s6 =	simm.s32 @!p1 $0x1082;
	[sflag:s4] =	ssyncset.s32 $0xFFFFF086  }
0x25: {  	[simem:s6], [sflag:s4] =	dma.local [hbm:s3], $0xF7A  }
0x26: {  	[smem:$0x3F9D] =	sst s1;
	(tag) =	ssettag s2;
	_ =	strace s9  }
0x27: {  	s1 =	sld [smem:$0x3FAD]  }
0x28: {  	s2 =	sld [smem:$0x3FAE]  }
0x29: {  	s4 =	sld [smem:$0x3FB0]  }
0x2a: {  	p0 =	seq.s32 s5, $0x0;
	s5 =	sld [smem:$0x3FB1]  }
0x2b: {  	s6 =	sld [smem:$0x3FB2]  }
0x2c: {  	s7 =	sld [smem:$0x3FB3]  }
0x2d: {  	s3 =	simm.s32 $0x108;
	s8 =	sld [smem:$0x3FB4]  }
0x2e: {  	s3 =	simm.s32 @!p0 $0x1082;
	s9 =	sld [smem:$0x3FB5]  }
0x2f: {  	lr =	sadd.s32 s0, s3;
	s0 =	sld [smem:$0x3FAC]  }
0x30: {  	s3 =	sld [smem:$0x3FAF]  }
0x31: {  	[smem:$0x3FB8] =	sst s10  }
0x32: {  	s10 =	sld [smem:$0x3FB6];
	_ =	sdelay $0x3  }
0x33: {  	p0 =	seq.s32 s10, $0x1;
	s10 =	sld [smem:$0x3FB8];
	_ =	sdelay $0x3  }
0x34: {  	[smem:$0x3FB8] =	sst s10  }
0x35: {  	s10 =	sld [smem:$0x3FB7];
	_ =	sdelay $0x3  }
0x36: {  	p1 =	seq.s32 s10, $0x1;
	s10 =	sld [smem:$0x3FB8];
	_ =	sdelay $0x3  }
0x37: {  	[smem:$0x3FB8] =	sst s10  }
0x38: {  	s10 =	sld [smem:$0x3FB9]  }
0x39: {  	_ = 	snop;
	(pc) =	sbr.ind lr, $3  }
0x3a: {  	_ = 	snop  }
0x3b: {  	_ = 	snop  }
0x3c: {  	p2 =	seq.s32 s10, $0x1;
	s10 =	sld [smem:$0x3FB8]  }
0x3d: {  	_ =	shalt  }
0x3e: {  	_ =	shalt  }
0x3f: {  	_ =	shalt  }
0x40: {  	_ =	shalt  }
0x41: {  	_ =	shalt  }
0x42: {  	_ =	shalt  }
0x43: {  	_ =	shalt  }
0x44: {  	_ =	shalt  }
0x45: {  	_ =	shalt  }
0x46: {  	_ =	shalt  }
0x47: {  	_ =	shalt  }
0x48: {  	_ =	shalt  }
0x49: {  	_ =	shalt  }
0x4a: {  	_ =	shalt  }
0x4b: {  	_ =	shalt  }
0x4c: {  	_ =	shalt  }
0x4d: {  	_ =	shalt  }
0x4e: {  	_ =	shalt  }
0x4f: {  	_ =	shalt  }
0x50: {  	_ =	shalt  }
0x51: {  	_ =	shalt  }
0x52: {  	_ =	shalt  }
0x53: {  	_ =	shalt  }
0x54: {  	_ =	shalt  }
0x55: {  	_ =	shalt  }
0x56: {  	_ =	shalt  }
0x57: {  	_ =	shalt  }
0x58: {  	_ =	shalt  }
0x59: {  	_ =	shalt  }
0x5a: {  	_ =	shalt  }
0x5b: {  	_ =	shalt  }
0x5c: {  	_ =	shalt  }
0x5d: {  	_ =	shalt  }
0x5e: {  	_ =	shalt  }
0x5f: {  	_ =	shalt  }
0x60: {  	_ =	shalt  }
0x61: {  	_ =	shalt  }
0x62: {  	_ =	shalt  }
0x63: {  	_ =	shalt  }
0x64: {  	_ =	shalt  }
0x65: {  	_ =	shalt  }
0x66: {  	_ =	shalt  }
0x67: {  	_ =	shalt  }
0x68: {  	_ =	shalt  }
0x69: {  	_ =	shalt  }
0x6a: {  	_ =	shalt  }
0x6b: {  	_ =	shalt  }
0x6c: {  	_ =	shalt  }
0x6d: {  	_ =	shalt  }
0x6e: {  	_ =	shalt  }
0x6f: {  	_ =	shalt  }
0x70: {  	_ =	shalt  }
0x71: {  	_ =	shalt  }
0x72: {  	_ =	shalt  }
0x73: {  	_ =	shalt  }
0x74: {  	_ =	shalt  }
0x75: {  	_ =	shalt  }
0x76: {  	_ =	shalt  }
0x77: {  	_ =	shalt  }
0x78: {  	_ =	shalt  }
0x79: {  	_ =	shalt  }
0x7a: {  	_ =	shalt  }
0x7b: {  	_ =	shalt  }
0x7c: {  	_ =	shalt  }
0x7d: {  	_ =	shalt  }
0x7e: {  	_ =	shalt  }
0x7f: {  	_ =	shalt  }
0x80: {  	_ =	shalt  }
0x81: {  	_ =	shalt  }
0x82: {  	_ =	shalt  }
0x83: {  	_ =	shalt  }
0x84: {  	_ =	shalt  }
0x85: {  	_ =	shalt  }
0x86: {  	_ =	shalt  }
0x87: {  	_ =	shalt  }
.Lfunc_end0:
.L_simem_size_0:
called_computation.1_lowered:
.L_overlay_start_0:
0x88: {  	s2 =	sld [smem:$0x3FD9]  }
0x89: {  	s3 =	sld [smem:$0x3FFE];
	_ =	sdelay $0x1  }
0x8a: {  	s1 =	srdreg.scid  }
0x8b: {  	s0 =	sand.u32 $0x1, s1  }
0x8c: {  	s17 =	sshll.u32 s0, $0xA;
	s2 =	sadd.s32 s3, s2  }
0x8d: {  	s2 =	sadd.s32 s2, s17  }
0x8e: {  	[smem:$0x3FC4] =	sst s2  }
0x8f: {  	_ = 	snop  }
0x90: {  	s2 =	sld [smem:$0x3FC9]  }
0x91: {  	s18 =	sld [smem:$0x3FC8]  }
0x92: {  	s4 =	sld [smem:$0x3FD0];
	(tm) =	ssettm $0x1  }
0x93: {  	s5 =	sld [smem:$0x3FFB];
	_ =	sdelay $0x3  }
0x94: {  	_ =	strace s5  }
0x95: {  	s5 =	sld [smem:$0x3FFC];
	_ =	sdelay $0x3  }
0x96: {  	_ =	strace s5  }
0x97: {  	s5 =	sld [smem:$0x3FFD];
	_ =	sdelay $0x3  }
0x98: {  	_ =	strace s5  }
0x99: {  	_ =	strace $0x8FFFFFFF  }
0x9a: {  	s19 =	sld [smem:$0x3FDB];
	_ =	sdelay $0x1  }
0x9b: {  	s6 =	simm.s32 $_scs_section_size  }
0x9c: {  	s7 =	simm.s32 $_size__tile_overlayer_lowered;
	s8 =	simm.s32 $_tile_overlayer_lowered  }
0x9d: {  	s22 =	simm.s32 $0x1BFF;
	s21 =	sshll.u32 s8, $0x1;
	s5 =	sadd.s32 s6, s19  }
0x9e: {  	s9 =	simm.s32 $0x0;
	s20 =	sshll.u32 s7, $0x1;
	s7 =	sadd.s32 s21, s5  }
0x9f: {  	[timem:s9], [sflag:s22] =	dma.local [hbm:s7], s20  }
0xa0: {  	_ =	swait.ge [sflag:s22], s20  }
0xa1: {  	s6 =	ssub.s32 $0x0, s20;
	[sflag:s22] =	ssyncset.done $0x0  }
0xa2: {  	[sflag:s22] =	ssyncadd.s32 s6;
	_ =	sdelay $0x1  }
0xa3: {  	s23 =	simm.s32 $0x1B8B  }
0xa4: {  	_ =	swait.ge [sflag:s23], $0x1  }
0xa5: {  	[sflag:s23] =	ssyncset.done $0x0  }
0xa6: {  	s25 =	simm.s32 $0x1B8E;
	s24 =	sld [smem:$0x3FFE];
	[sflag:s23] =	ssyncadd.s32 $0xFFFFFFFF  }
0xa7: {  	s26 =	simm.s32 $execute0_lowered;
	[smem:$0x3FD2] =	sst s25  }
0xa8: {  	s7 =	sshll.u32 s26, $0x1;
	_ =	strace $0x80000046;
	[dreg:$0x1] =	wrdreg $0xFFFFFFFF  }
0xa9: {  	s28 =	simm.s32 $_size_execute0_lowered;
	s5 =	sadd.s32 s5, s7;
	[dreg:$0x0] =	wrdreg $0x0  }
0xaa: {  	s7 =	sshll.u32 s28, $0x1;
	[dreg:$0x2] =	wrdreg s5  }
0xab: {  	[dreg:$0x3] =	wrdreg s7  }
0xac: {  	[dreg:$0x4] =	wrdreg $0xC0  }
0xad: {  	_ =	task [dreg:s9], $0x5FFFF  }
0xae: {  	[dreg:$0x1] =	wrdreg $0xFFFFFFFF  }
0xaf: {  	[dreg:$0x0] =	wrdreg $0x60  }
0xb0: {  	[dreg:$0x2] =	wrdreg s2  }
0xb1: {  	[dreg:$0x3] =	wrdreg s18  }
0xb2: {  	[dreg:$0x4] =	wrdreg s24  }
0xb3: {  	[dreg:$0x5] =	wrdreg s4  }
0xb4: {  	[dreg:$0x6] =	wrdreg $0x9  }
0xb5: {  	_ =	task.clear_ibuf [dreg:s9], $0x7FFFF;
	_ =	strace $0x90000046  }
0xb6: {  	s29 =	simm.s32 $0x9;
	_ =	strace $0x80000048  }
0xb7: {  	_ =	swait.ge [sflag:s29], $0x1  }
0xb8: {  	[sflag:s29] =	ssyncadd.s32 $0xFFFFFFFF  }
0xb9: {  	_ =	strace $0x90000048  }
0xba: {  	_ =	sfence  }
0xbb: {  	s30 =	sld [smem:$0x0];
	_ =	sdelay $0x2  }
0xbc: {  	s31 =	sshll.u32 s1, $0xD;
	s1 =	sshrl.u32 s1, $0x2  }
0xbd: {  	s3 =	sand.u32 $0x4000, s31;
	s1 =	sadd.s32 s1, s30  }
0xbe: {  	s0 =	sor.u32 s3, s0;
	s1 =	sshll.u32 s1, $0x11  }
0xbf: {  	s0 =	sor.u32 s1, s0  }
0xc0: {  	s0 =	sadd.s32 $0x8F2B, s0  }
0xc1: {  	[sflag:s0] =	ssyncadd.remote.s32 $0x1  }
0xc2: {  	_ =	sfence.sel $0xFFFF  }
0xc3: {  	[dreg:$0x0] =	wrdreg $0xFFFFFFFF;
	(pc) =	sbr.abs _section_cstart, $3  }
0xc4: {  	[dreg:$0x1] =	wrdreg $0xFFFFFFFF  }
0xc5: {  	_ =	task.clear_ibuf [dreg:s9], $0x2FFFF;
	_ =	strace $0x9FFFFFFF  }
0xc6: {  	(tm) =	ssettm $0x7FFFFFFF  }
0xc7: {  	_ =	shalt  }
tec
execute0_lowered:
.L_overlay_start_1:
0x0: {  	(tag) =	ssettag $0x1  }
0x1: {  	s0 =	rddreg [dreg:$0x0]  }
0x2: {  	s1 =	rddreg [dreg:$0x1]  }
0x3: {  	s3 =	rddreg [dreg:$0x2]  }
0x4: {  	s17 =	rddreg [dreg:$0x3]  }
0x5: {  	s5 =	simm.s32 $0x0;
	s4 =	srdreg.scid;
	s2 =	stileid.u32  }
0x6: {  	s28 =	simm.s32 $0xD480;
	s30 =	simm.s32 $0x10680;
	s31 =	simm.s32 $0x1  }
0x7: {  	s29 =	simm.s32 $0xDB00;
	[smem:$0x7FF] =	sst s5;
	s6 =	sand.u32 $0x1, s4  }
0x8: {  	s25 =	sshll.u32 s2, $0x1;
	s4 =	sadd.s32 $0x800, s3;
	s13 =	smul.u32 $0x320000, s2  }
0x9: {  	s5 =	sadd.s32 $0x1000, s3;
	s3 =	simm.s32 $0x0;
	s16 =	smul.u32 $0x190000, s6  }
0xa: {  	s26 =	sor.u32 s6, s25;
	s7 =	ssub.s32 $0x2, s6;
	s6 =	smul.u32 $0x32000, s6  }
0xb: {  	_ =	strace $0x80000047;
	s8 =	smul.u32 $0xC80, s26;
	s9 =	sshrl.u32 s7, $0x1  }
0xc: {  	s10 =	sshll.u32 s26, $0x7;
	s11 =	smul.u32 $0x190000, s26;
	s9 =	ssub.s32 s7, s9  }
0xd: {  	[dreg:$0x5] =	wrdreg s10;
	s7 =	simm.s32 $0x5;
	s0 =	sadd.s32 s0, s8  }
0xe: {  	s10 =	sshrl.u32 s11, $0x3;
	s1 =	sadd.s32 s1, s8;
	[dreg:$0x9] =	wrdreg s0  }
0xf: {  	s11 =	smul.u32 $0x64000, s2;
	s26 =	smax.u32 s9, $0x1;
	[dreg:$0xa] =	wrdreg s1  }
0x10: {  	s9 =	simm.s32 $0x3;
	s12 =	sadd.s32 s17, s10;
	[dreg:$0x13] =	wrdreg s26  }
0x11: {  	s0 =	sadd.s32 s16, s13;
	s14 =	sadd.s32 $0x2, s12;
	[dreg:$0xb] =	wrdreg s12  }
0x12: {  	s1 =	simm.s32 $0x40;
	s15 =	sadd.s32 $0x340, s12;
	[dreg:$0xc] =	wrdreg s14  }
0x13: {  	s26 =	simm.s32 $0x11A00;
	s18 =	sadd.s32 $0x342, s12;
	[dreg:$0xd] =	wrdreg s15  }
0x14: {  	s10 =	simm.s32 $0x6;
	s19 =	sadd.s32 $0x319C0, s12;
	[dreg:$0xe] =	wrdreg s18  }
0x15: {  	s13 =	simm.s32 $0x8;
	s20 =	sadd.s32 $0x319C2, s12;
	[dreg:$0xf] =	wrdreg s19  }
0x16: {  	s21 =	sadd.s32 $0x31D00, s12;
	s22 =	sadd.s32 $0x31D02, s12;
	[dreg:$0x10] =	wrdreg s20  }
0x17: {  	s23 =	sadd.s32 s6, s11;
	s24 =	sor.u32 $0x7E00, s0;
	[dreg:$0x11] =	wrdreg s21  }
0x18: {  	s0 =	sor.u32 $0x7E10, s0;
	s6 =	simm.s32 $0x2;
	[dreg:$0x12] =	wrdreg s22  }
0x19: {  	s11 =	simm.s32 $0x4;
	s12 =	simm.s32 $0x7;
	[dreg:$0x6] =	wrdreg s23  }
0x1a: {  	s25 =	sshrl.u32 s24, $0x3;
	s0 =	sshrl.u32 s0, $0x3;
	s19 =	simm.s32 $0x68  }
0x1b: {  	s20 =	simm.s32 $0xC800;
	s21 =	simm.s32 $0xE100;
	s22 =	simm.s32 $0x60  }
0x1c: {  	s23 =	simm.s32 $0xCE80;
	s24 =	simm.s32 $0x30;
	[dreg:$0x7] =	wrdreg s25  }
0x1d: {  	[dreg:$0x8] =	wrdreg s0;
	s25 =	simm.s32 $0xF480;
	s0 =	simm.s32 $0x10  }
.LBB2_1:
0x1e: {  	[dreg:$0x14] =	wrdreg s3  }
0x1f: {  	s2 =	simm.s32 $0x0;
	s16 =	rddreg [dreg:$0x9];
	s8 =	simm.s32 $0x9  }
0x20: {  	[tilespmem:s2], [sflag:$0x9] =	stream.linear.gather [hbm4b:s16+s2], $0x6400, $0x38;
	[tilespmem:$0x12C00] =	vst v63  }
0x21: {  	_ =	swait.ge [sflag:s8], $0x6400  }
0x22: {  	[sflag:s8] =	ssyncset.done $0x0  }
0x23: {  	s14 =	simm.s32 $0x6400;
	s18 =	rddreg [dreg:$0xa];
	[sflag:s8] =	ssyncadd.s32 $0xFFFF9C00  }
0x24: {  	[tilespmem:s14], [sflag:$0x9] =	stream.linear.gather [hbm4b:s18+s2], $0x6400, $0x38;
	[tilespmem:$0x12C00] =	vst v63  }
0x25: {  	_ =	swait.ge [sflag:s8], $0x6400  }
0x26: {  	[sflag:s8] =	ssyncset.done $0x0  }
0x27: {  	[sflag:s8] =	ssyncadd.s32 $0xFFFF9C00  }
0x28: {  	[tilespmem:s20], [sflag:$0x1] =	stream.indirect.gather [hbm4b:s4+s19], $0x10, s2, s19, $0xb8;
	[tilespmem:$0x12C00] =	vst v63  }
0x29: {  	_ = 	snop  }
0x2a: {  	[tilespmem:s21], [sflag:$0x1] =	stream.indirect.gather [hbm4b:s5+s19], $0x30, s14, s19, $0xb8;
	[tilespmem:$0x12C00] =	vst v63  }
0x2b: {  	_ = 	snop  }
0x2c: {  	[tilespmem:s23], [sflag:$0x2] =	stream.indirect.gather [hbm4b:s4+s22], $0x10, s19, s22, $0xb8;
	[tilespmem:$0x12C00] =	vst v63  }
0x2d: {  	s14 =	simm.s32 $0x6468  }
0x2e: {  	[tilespmem:s25], [sflag:$0x2] =	stream.indirect.gather [hbm4b:s5+s22], $0x30, s14, s22, $0xb8;
	[tilespmem:$0x12C00] =	vst v63  }
0x2f: {  	s15 =	simm.s32 $0xC8  }
0x30: {  	[tilespmem:s28], [sflag:$0x3] =	stream.indirect.gather [hbm4b:s4+s19], $0x10, s15, s19, $0xb8;
	[tilespmem:$0x12C00] =	vst v63  }
0x31: {  	s16 =	simm.s32 $0x64C8  }
0x32: {  	[tilespmem:s30], [sflag:$0x3] =	stream.indirect.gather [hbm4b:s5+s19], $0x30, s16, s19, $0xb8;
	[tilespmem:$0x12C00] =	vst v63  }
0x33: {  	_ =	swait.ge [sflag:s31], $0x680  }
0x34: {  	[sflag:s31] =	ssyncset.done $0x0  }
0x35: {  	[sflag:s31] =	ssyncadd.s32 $0xFFFFF980  }
0x36: {  	_ =	swait.ge [sflag:s31], $0x1380  }
0x37: {  	[sflag:s31] =	ssyncset.done $0x0  }
0x38: {  	s18 =	rddreg [dreg:$0xb];
	[sflag:s31] =	ssyncadd.s32 $0xFFFFEC80  }
0x39: {  	[hbm4b:s18+s0] =	stream.strided.scatter [tilespmem:s20], [sflag:$0x5], $0x680, s1, s0, $0x38;
	[tilespmem:$0x12C00] =	vst v63  }
0x3a: {  	s3 =	rddreg [dreg:$0xc]  }
0x3b: {  	[hbm4b:s3+s24] =	stream.strided.scatter [tilespmem:s21], [sflag:$0x5], $0x1380, s1, s24, $0x38;
	[tilespmem:$0x12C00] =	vst v63  }
0x3c: {  	s8 =	simm.s32 $0x130  }
0x3d: {  	[tilespmem:s29], [sflag:$0x4] =	stream.indirect.gather [hbm4b:s4+s22], $0x10, s8, s22, $0xb8;
	[tilespmem:$0x12C00] =	vst v63  }
0x3e: {  	s14 =	simm.s32 $0x6530  }
0x3f: {  	[tilespmem:s26], [sflag:$0x4] =	stream.indirect.gather [hbm4b:s5+s22], $0x30, s14, s22, $0xb8;
	[tilespmem:$0x12C00] =	vst v63  }
0x40: {  	_ =	swait.ge [sflag:s6], $0x600  }
0x41: {  	[sflag:s6] =	ssyncset.done $0x0  }
0x42: {  	[sflag:s6] =	ssyncadd.s32 $0xFFFFFA00  }
0x43: {  	_ =	swait.ge [sflag:s6], $0x1200  }
0x44: {  	[sflag:s6] =	ssyncset.done $0x0  }
0x45: {  	s15 =	rddreg [dreg:$0xd];
	[sflag:s6] =	ssyncadd.s32 $0xFFFFEE00  }
0x46: {  	[hbm4b:s15+s0] =	stream.strided.scatter [tilespmem:s23], [sflag:$0x6], $0x600, s1, s0, $0x38;
	[tilespmem:$0x12C00] =	vst v63  }
0x47: {  	s16 =	rddreg [dreg:$0xe]  }
0x48: {  	[hbm4b:s16+s24] =	stream.strided.scatter [tilespmem:s25], [sflag:$0x6], $0x1200, s1, s24, $0x38;
	[tilespmem:$0x12C00] =	vst v63  }
0x49: {  	_ =	swait.ge [sflag:s7], $0x680  }
0x4a: {  	[sflag:s7] =	ssyncset.done $0x0  }
0x4b: {  	[sflag:s7] =	ssyncadd.s32 $0xFFFFF980  }
0x4c: {  	_ =	swait.ge [sflag:s7], $0x1380  }
0x4d: {  	[sflag:s7] =	ssyncset.done $0x0  }
0x4e: {  	s18 =	simm.s32 $0x190;
	[sflag:s7] =	ssyncadd.s32 $0xFFFFEC80  }
0x4f: {  	[tilespmem:s20], [sflag:$0x1] =	stream.indirect.gather [hbm4b:s4+s19], $0x10, s18, s19, $0xb8;
	[tilespmem:$0x12C00] =	vst v63  }
0x50: {  	s2 =	simm.s32 $0x6590  }
0x51: {  	[tilespmem:s21], [sflag:$0x1] =	stream.indirect.gather [hbm4b:s5+s19], $0x30, s2, s19, $0xb8;
	[tilespmem:$0x12C00] =	vst v63  }
0x52: {  	_ =	swait.ge [sflag:s9], $0x680  }
0x53: {  	[sflag:s9] =	ssyncset.done $0x0  }
0x54: {  	[sflag:s9] =	ssyncadd.s32 $0xFFFFF980  }
0x55: {  	_ =	swait.ge [sflag:s9], $0x1380  }
0x56: {  	s8 =	rddreg [dreg:$0x6]  }
0x57: {  	[sflag:s9] =	ssyncset.done $0x0;
	s3 =	sadd.s32 s17, s8  }
0x58: {  	[sflag:s9] =	ssyncadd.s32 $0xFFFFEC80;
	s14 =	sadd.s32 $0x640, s3  }
0x59: {  	[hbm4b:s14+s0] =	stream.strided.scatter [tilespmem:s28], [sflag:$0x7], $0x680, s1, s0, $0x38;
	[tilespmem:$0x12C00] =	vst v63  }
0x5a: {  	s15 =	sadd.s32 $0x642, s3  }
0x5b: {  	[hbm4b:s15+s24] =	stream.strided.scatter [tilespmem:s30], [sflag:$0x7], $0x1380, s1, s24, $0x38;
	[tilespmem:$0x12C00] =	vst v63  }
0x5c: {  	_ =	swait.ge [sflag:s10], $0x600  }
0x5d: {  	[sflag:s10] =	ssyncset.done $0x0  }
0x5e: {  	[sflag:s10] =	ssyncadd.s32 $0xFFFFFA00  }
0x5f: {  	_ =	swait.ge [sflag:s10], $0x1200  }
0x60: {  	[sflag:s10] =	ssyncset.done $0x0  }
0x61: {  	s16 =	simm.s32 $0x1F8;
	[sflag:s10] =	ssyncadd.s32 $0xFFFFEE00  }
0x62: {  	[tilespmem:s23], [sflag:$0x2] =	stream.indirect.gather [hbm4b:s4+s22], $0x10, s16, s22, $0xb8;
	[tilespmem:$0x12C00] =	vst v63  }
0x63: {  	s18 =	simm.s32 $0x65F8  }
0x64: {  	[tilespmem:s25], [sflag:$0x2] =	stream.indirect.gather [hbm4b:s5+s22], $0x30, s18, s22, $0xb8;
	[tilespmem:$0x12C00] =	vst v63  }
0x65: {  	_ =	swait.ge [sflag:s11], $0x600  }
0x66: {  	s2 =	sand.u32 $0x8000, s9;
	[sflag:s11] =	ssyncset.done $0x0  }
0x67: {  	s8 =	sshrl.u32 s2, $0xF;
	[sflag:s11] =	ssyncadd.s32 $0xFFFFFA00  }
0x68: {  	s8 =	sadd.s32 $0x3, s8;
	_ =	swait.ge [sflag:s11], $0x1200  }
0x69: {  	s8 =	sshll.u32 s8, $0x10;
	s15 =	rddreg [dreg:$0x5]  }
0x6a: {  	s8 =	sshra.s32 s8, $0x11;
	s15 =	sadd.s32 $0x0, s15  }
0x6b: {  	s8 =	sadd.s32 s8, s15  }
0x6c: {  	s8 =	smul.u32 $0x3200, s8;
	_ =	sdelay $0x1  }
0x6d: {  	s14 =	sadd.s32 $0x1A00, s8  }
0x6e: {  	[sflag:s11] =	ssyncset.done $0x0;
	s8 =	sadd.s32 $0x1A10, s8;
	s15 =	sshrl.u32 s14, $0x3  }
0x6f: {  	[sflag:s11] =	ssyncadd.s32 $0xFFFFEE00;
	s8 =	sshrl.u32 s8, $0x3;
	s15 =	sadd.s32 s17, s15  }
0x70: {  	[hbm4b:s15+s0] =	stream.strided.scatter [tilespmem:s29], [sflag:$0x8], $0x600, s1, s0, $0x38;
	[tilespmem:$0x12C00] =	vst v63  }
0x71: {  	s8 =	sadd.s32 s17, s8  }
0x72: {  	[hbm4b:s8+s24] =	stream.strided.scatter [tilespmem:s26], [sflag:$0x8], $0x1200, s1, s24, $0x38;
	[tilespmem:$0x12C00] =	vst v63  }
0x73: {  	_ =	swait.ge [sflag:s12], $0x680  }
0x74: {  	[sflag:s12] =	ssyncset.done $0x0  }
0x75: {  	[sflag:s12] =	ssyncadd.s32 $0xFFFFF980  }
0x76: {  	_ =	swait.ge [sflag:s12], $0x1380  }
0x77: {  	[sflag:s12] =	ssyncset.done $0x0  }
0x78: {  	s16 =	simm.s32 $0x258;
	[sflag:s12] =	ssyncadd.s32 $0xFFFFEC80  }
0x79: {  	[tilespmem:s28], [sflag:$0x3] =	stream.indirect.gather [hbm4b:s4+s19], $0x10, s16, s19, $0xb8;
	[tilespmem:$0x12C00] =	vst v63  }
0x7a: {  	s18 =	simm.s32 $0x6658  }
0x7b: {  	[tilespmem:s30], [sflag:$0x3] =	stream.indirect.gather [hbm4b:s5+s19], $0x30, s18, s19, $0xb8;
	[tilespmem:$0x12C00] =	vst v63  }
0x7c: {  	_ =	swait.ge [sflag:s31], $0x680  }
0x7d: {  	[sflag:s31] =	ssyncset.done $0x0  }
0x7e: {  	[sflag:s31] =	ssyncadd.s32 $0xFFFFF980  }
0x7f: {  	_ =	swait.ge [sflag:s31], $0x1380  }
0x80: {  	[sflag:s31] =	ssyncset.done $0x0  }
0x81: {  	s2 =	sadd.s32 $0xC80, s3;
	[sflag:s31] =	ssyncadd.s32 $0xFFFFEC80  }
0x82: {  	[hbm4b:s2+s0] =	stream.strided.scatter [tilespmem:s20], [sflag:$0x5], $0x680, s1, s0, $0x38;
	[tilespmem:$0x12C00] =	vst v63  }
0x83: {  	s3 =	sadd.s32 $0xC82, s3  }
0x84: {  	[hbm4b:s3+s24] =	stream.strided.scatter [tilespmem:s21], [sflag:$0x5], $0x1380, s1, s24, $0x38;
	[tilespmem:$0x12C00] =	vst v63  }
0x85: {  	_ =	swait.ge [sflag:s13], $0x600  }
0x86: {  	[sflag:s13] =	ssyncset.done $0x0  }
0x87: {  	[sflag:s13] =	ssyncadd.s32 $0xFFFFFA00  }
0x88: {  	_ =	swait.ge [sflag:s13], $0x1200  }
0x89: {  	[sflag:s13] =	ssyncset.done $0x0  }
0x8a: {  	s14 =	simm.s32 $0x2C0;
	[sflag:s13] =	ssyncadd.s32 $0xFFFFEE00  }
0x8b: {  	[tilespmem:s29], [sflag:$0x4] =	stream.indirect.gather [hbm4b:s4+s22], $0x10, s14, s22, $0xb8;
	[tilespmem:$0x12C00] =	vst v63  }
0x8c: {  	s15 =	simm.s32 $0x66C0  }
0x8d: {  	[tilespmem:s26], [sflag:$0x4] =	stream.indirect.gather [hbm4b:s5+s22], $0x30, s15, s22, $0xb8;
	[tilespmem:$0x12C00] =	vst v63  }
0x8e: {  	_ =	swait.ge [sflag:s6], $0x600  }
0x8f: {  	[sflag:s6] =	ssyncset.done $0x0  }
0x90: {  	[sflag:s6] =	ssyncadd.s32 $0xFFFFFA00  }
0x91: {  	_ =	swait.ge [sflag:s6], $0x1200  }
0x92: {  	s15 =	simm.s32 $0x640;
	s16 =	rddreg [dreg:$0x7];
	[sflag:s6] =	ssyncset.done $0x0  }
0x93: {  	s18 =	rddreg [dreg:$0x8];
	[sflag:s6] =	ssyncadd.s32 $0xFFFFEE00;
	s3 =	sadd.s32 s17, s16  }
0x94: {  	[hbm4b:s3+s0] =	stream.strided.scatter [tilespmem:s23], [sflag:$0x6], $0x600, s1, s0, $0x38;
	[tilespmem:$0x12C00] =	vst v63  }
0x95: {  	s16 =	simm.s32 $0x7;
	s3 =	sadd.s32 s17, s18;
	s18 =	sadd.s32 $0xC80, s17  }
.LBB2_2:
0x96: {  	[hbm4b:s3+s24] =	stream.strided.scatter [tilespmem:s25], [sflag:$0x6], $0x1200, s1, s24, $0x38;
	[tilespmem:$0x12C00] =	vst v63  }
0x97: {  	_ =	swait.ge [sflag:s7], $0x680  }
0x98: {  	[sflag:s7] =	ssyncset.done $0x0  }
0x99: {  	[sflag:s7] =	ssyncadd.s32 $0xFFFFF980  }
0x9a: {  	s8 =	smov.u32 s15;
	_ =	swait.ge [sflag:s7], $0x1380  }
0x9b: {  	s8 =	sshra.s32 s8, $0x2;
	[sflag:s7] =	ssyncset.done $0x0  }
0x9c: {  	s3 =	sadd.s32 $0x190, s8;
	[sflag:s7] =	ssyncadd.s32 $0xFFFFEC80  }
0x9d: {  	[tilespmem:s20], [sflag:$0x1] =	stream.indirect.gather [hbm4b:s4+s19], $0x10, s3, s19, $0xb8;
	[tilespmem:$0x12C00] =	vst v63  }
0x9e: {  	s14 =	sadd.s32 $0x6590, s8  }
0x9f: {  	[tilespmem:s21], [sflag:$0x1] =	stream.indirect.gather [hbm4b:s5+s19], $0x30, s14, s19, $0xb8;
	[tilespmem:$0x12C00] =	vst v63  }
0xa0: {  	_ =	swait.ge [sflag:s9], $0x680  }
0xa1: {  	[sflag:s9] =	ssyncset.done $0x0  }
0xa2: {  	[sflag:s9] =	ssyncadd.s32 $0xFFFFF980  }
0xa3: {  	_ =	swait.ge [sflag:s9], $0x1380  }
0xa4: {  	s20 =	rddreg [dreg:$0x6]  }
0xa5: {  	[sflag:s9] =	ssyncset.done $0x0;
	s3 =	sadd.s32 s18, s20  }
0xa6: {  	[sflag:s9] =	ssyncadd.s32 $0xFFFFEC80;
	s2 =	sadd.s32 $0x640, s3  }
0xa7: {  	[hbm4b:s2+s0] =	stream.strided.scatter [tilespmem:s28], [sflag:$0x7], $0x680, s1, s0, $0x38;
	[tilespmem:$0x12C00] =	vst v63  }
0xa8: {  	s14 =	sadd.s32 $0x642, s3  }
0xa9: {  	[hbm4b:s14+s24] =	stream.strided.scatter [tilespmem:s30], [sflag:$0x7], $0x1380, s1, s24, $0x38;
	[tilespmem:$0x12C00] =	vst v63  }
0xaa: {  	_ =	swait.ge [sflag:s10], $0x600  }
0xab: {  	[sflag:s10] =	ssyncset.done $0x0  }
0xac: {  	[sflag:s10] =	ssyncadd.s32 $0xFFFFFA00  }
0xad: {  	_ =	swait.ge [sflag:s10], $0x1200  }
0xae: {  	[sflag:s10] =	ssyncset.done $0x0  }
0xaf: {  	s2 =	sadd.s32 $0x1F8, s8;
	[sflag:s10] =	ssyncadd.s32 $0xFFFFEE00  }
0xb0: {  	[tilespmem:s23], [sflag:$0x2] =	stream.indirect.gather [hbm4b:s4+s22], $0x10, s2, s22, $0xb8;
	[tilespmem:$0x12C00] =	vst v63  }
0xb1: {  	s14 =	sadd.s32 $0x65F8, s8  }
0xb2: {  	[tilespmem:s25], [sflag:$0x2] =	stream.indirect.gather [hbm4b:s5+s22], $0x30, s14, s22, $0xb8;
	[tilespmem:$0x12C00] =	vst v63  }
0xb3: {  	_ =	swait.ge [sflag:s11], $0x600  }
0xb4: {  	s2 =	sand.u32 $0x8000, s16;
	[sflag:s11] =	ssyncset.done $0x0  }
0xb5: {  	s20 =	smov.u32 s17;
	s17 =	sshrl.u32 s2, $0xF;
	[sflag:s11] =	ssyncadd.s32 $0xFFFFFA00  }
0xb6: {  	s17 =	sadd.s32 s17, s16;
	_ =	swait.ge [sflag:s11], $0x1200  }
0xb7: {  	s2 =	sshra.s32 s16, $0x1F;
	s17 =	sshll.u32 s17, $0x10;
	s14 =	rddreg [dreg:$0x5]  }
0xb8: {  	s17 =	sshra.s32 s17, $0x11;
	s2 =	sadd.s32 s14, s2  }
0xb9: {  	s2 =	sadd.s32 s17, s2  }
0xba: {  	s2 =	smul.u32 $0x3200, s2;
	_ =	sdelay $0x1  }
0xbb: {  	[sflag:s11] =	ssyncset.done $0x0;
	s14 =	sadd.s32 $0x1A00, s2  }
0xbc: {  	s17 =	smov.u32 s20;
	s2 =	sadd.s32 $0x1A10, s2;
	s14 =	sshrl.u32 s14, $0x3  }
0xbd: {  	[sflag:s11] =	ssyncadd.s32 $0xFFFFEE00;
	s2 =	sshrl.u32 s2, $0x3;
	s14 =	sadd.s32 s17, s14  }
0xbe: {  	[hbm4b:s14+s0] =	stream.strided.scatter [tilespmem:s29], [sflag:$0x8], $0x600, s1, s0, $0x38;
	[tilespmem:$0x12C00] =	vst v63  }
0xbf: {  	s2 =	sadd.s32 s17, s2  }
0xc0: {  	[hbm4b:s2+s24] =	stream.strided.scatter [tilespmem:s26], [sflag:$0x8], $0x1200, s1, s24, $0x38;
	[tilespmem:$0x12C00] =	vst v63  }
0xc1: {  	_ =	swait.ge [sflag:s12], $0x680  }
0xc2: {  	[sflag:s12] =	ssyncset.done $0x0  }
0xc3: {  	[sflag:s12] =	ssyncadd.s32 $0xFFFFF980  }
0xc4: {  	_ =	swait.ge [sflag:s12], $0x1380  }
0xc5: {  	[sflag:s12] =	ssyncset.done $0x0  }
0xc6: {  	s14 =	sadd.s32 $0x258, s8;
	[sflag:s12] =	ssyncadd.s32 $0xFFFFEC80  }
0xc7: {  	[tilespmem:s28], [sflag:$0x3] =	stream.indirect.gather [hbm4b:s4+s19], $0x10, s14, s19, $0xb8;
	[tilespmem:$0x12C00] =	vst v63  }
0xc8: {  	s14 =	sadd.s32 $0x6658, s8  }
0xc9: {  	[tilespmem:s30], [sflag:$0x3] =	stream.indirect.gather [hbm4b:s5+s19], $0x30, s14, s19, $0xb8;
	[tilespmem:$0x12C00] =	vst v63  }
0xca: {  	_ =	swait.ge [sflag:s31], $0x680  }
0xcb: {  	[sflag:s31] =	ssyncset.done $0x0  }
0xcc: {  	[sflag:s31] =	ssyncadd.s32 $0xFFFFF980  }
0xcd: {  	_ =	swait.ge [sflag:s31], $0x1380  }
0xce: {  	[sflag:s31] =	ssyncset.done $0x0  }
0xcf: {  	s20 =	simm.s32 $0xC800;
	s14 =	sadd.s32 $0xC80, s3;
	[sflag:s31] =	ssyncadd.s32 $0xFFFFEC80  }
0xd0: {  	[hbm4b:s14+s0] =	stream.strided.scatter [tilespmem:s20], [sflag:$0x5], $0x680, s1, s0, $0x38;
	[tilespmem:$0x12C00] =	vst v63  }
0xd1: {  	s3 =	sadd.s32 $0xC82, s3  }
0xd2: {  	[hbm4b:s3+s24] =	stream.strided.scatter [tilespmem:s21], [sflag:$0x5], $0x1380, s1, s24, $0x38;
	[tilespmem:$0x12C00] =	vst v63  }
0xd3: {  	_ =	swait.ge [sflag:s13], $0x600  }
0xd4: {  	[sflag:s13] =	ssyncset.done $0x0  }
0xd5: {  	[sflag:s13] =	ssyncadd.s32 $0xFFFFFA00  }
0xd6: {  	_ =	swait.ge [sflag:s13], $0x1200  }
0xd7: {  	[sflag:s13] =	ssyncset.done $0x0  }
0xd8: {  	s14 =	sadd.s32 $0x2C0, s8;
	[sflag:s13] =	ssyncadd.s32 $0xFFFFEE00  }
0xd9: {  	[tilespmem:s29], [sflag:$0x4] =	stream.indirect.gather [hbm4b:s4+s22], $0x10, s14, s22, $0xb8;
	[tilespmem:$0x12C00] =	vst v63  }
0xda: {  	s3 =	sadd.s32 $0x66C0, s8  }
0xdb: {  	[tilespmem:s26], [sflag:$0x4] =	stream.indirect.gather [hbm4b:s5+s22], $0x30, s3, s22, $0xb8;
	[tilespmem:$0x12C00] =	vst v63  }
0xdc: {  	_ =	swait.ge [sflag:s6], $0x600  }
0xdd: {  	[sflag:s6] =	ssyncset.done $0x0  }
0xde: {  	p0 =	sne.s32 s15, $0x18380;
	[sflag:s6] =	ssyncadd.s32 $0xFFFFFA00  }
.Ltmp0:
0xdf: {  	_ =	swait.ge [sflag:s6], $0x1200;
	(pc) =	sbr.rel @p0 .LBB2_2-.Ltmp0, $4  }
0xe0: {  	s15 =	sadd.s32 $0x640, s15;
	s8 =	rddreg [dreg:$0x7];
	[sflag:s6] =	ssyncset.done $0x0  }
0xe1: {  	s16 =	sadd.s32 $0x4, s16;
	s14 =	rddreg [dreg:$0x8];
	[sflag:s6] =	ssyncadd.s32 $0xFFFFEE00  }
0xe2: {  	s2 =	sadd.s32 s18, s8;
	s3 =	sadd.s32 s18, s14;
	s18 =	sadd.s32 $0xC80, s18  }
0xe3: {  	[hbm4b:s2+s0] =	stream.strided.scatter [tilespmem:s23], [sflag:$0x6], $0x600, s1, s0, $0x38;
	[tilespmem:$0x12C00] =	vst v63  }
0xe4: {  	[hbm4b:s3+s24] =	stream.strided.scatter [tilespmem:s25], [sflag:$0x6], $0x1200, s1, s24, $0x38;
	[tilespmem:$0x12C00] =	vst v63  }
0xe5: {  	_ =	swait.ge [sflag:s9], $0x680  }
0xe6: {  	[sflag:s9] =	ssyncset.done $0x0  }
0xe7: {  	[sflag:s9] =	ssyncadd.s32 $0xFFFFF980  }
0xe8: {  	_ =	swait.ge [sflag:s9], $0x1380  }
0xe9: {  	[sflag:s9] =	ssyncset.done $0x0  }
0xea: {  	s2 =	rddreg [dreg:$0xf];
	[sflag:s9] =	ssyncadd.s32 $0xFFFFEC80  }
0xeb: {  	[hbm4b:s2+s0] =	stream.strided.scatter [tilespmem:s28], [sflag:$0x7], $0x680, s1, s0, $0x38;
	[tilespmem:$0x12C00] =	vst v63  }
0xec: {  	s8 =	rddreg [dreg:$0x10]  }
0xed: {  	[hbm4b:s8+s24] =	stream.strided.scatter [tilespmem:s30], [sflag:$0x7], $0x1380, s1, s24, $0x38;
	[tilespmem:$0x12C00] =	vst v63  }
0xee: {  	_ =	swait.ge [sflag:s11], $0x600  }
0xef: {  	[sflag:s11] =	ssyncset.done $0x0  }
0xf0: {  	[sflag:s11] =	ssyncadd.s32 $0xFFFFFA00  }
0xf1: {  	_ =	swait.ge [sflag:s11], $0x1200  }
0xf2: {  	[sflag:s11] =	ssyncset.done $0x0  }
0xf3: {  	s14 =	rddreg [dreg:$0x11];
	[sflag:s11] =	ssyncadd.s32 $0xFFFFEE00  }
0xf4: {  	[hbm4b:s14+s0] =	stream.strided.scatter [tilespmem:s29], [sflag:$0x8], $0x600, s1, s0, $0x38;
	[tilespmem:$0x12C00] =	vst v63  }
0xf5: {  	s15 =	rddreg [dreg:$0x12]  }
0xf6: {  	[hbm4b:s15+s24] =	stream.strided.scatter [tilespmem:s26], [sflag:$0x8], $0x1200, s1, s24, $0x38;
	[tilespmem:$0x12C00] =	vst v63  }
0xf7: {  	_ =	swait.ge [sflag:s7], $0x680  }
0xf8: {  	[sflag:s7] =	ssyncset.done $0x0  }
0xf9: {  	[sflag:s7] =	ssyncadd.s32 $0xFFFFF980  }
0xfa: {  	_ =	swait.ge [sflag:s7], $0x1380  }
0xfb: {  	[sflag:s7] =	ssyncset.done $0x0  }
0xfc: {  	[sflag:s7] =	ssyncadd.s32 $0xFFFFEC80  }
0xfd: {  	_ =	swait.ge [sflag:s10], $0x600  }
0xfe: {  	[sflag:s10] =	ssyncset.done $0x0  }
0xff: {  	[sflag:s10] =	ssyncadd.s32 $0xFFFFFA00  }
0x100: {  	_ =	swait.ge [sflag:s10], $0x1200  }
0x101: {  	[sflag:s10] =	ssyncset.done $0x0  }
0x102: {  	[sflag:s10] =	ssyncadd.s32 $0xFFFFEE00  }
0x103: {  	_ =	swait.ge [sflag:s12], $0x680  }
0x104: {  	[sflag:s12] =	ssyncset.done $0x0  }
0x105: {  	[sflag:s12] =	ssyncadd.s32 $0xFFFFF980  }
0x106: {  	_ =	swait.ge [sflag:s12], $0x1380  }
0x107: {  	[sflag:s12] =	ssyncset.done $0x0  }
0x108: {  	[sflag:s12] =	ssyncadd.s32 $0xFFFFEC80  }
0x109: {  	_ =	swait.ge [sflag:s13], $0x600  }
0x10a: {  	[sflag:s13] =	ssyncset.done $0x0  }
0x10b: {  	[sflag:s13] =	ssyncadd.s32 $0xFFFFFA00  }
0x10c: {  	_ =	swait.ge [sflag:s13], $0x1200  }
0x10d: {  	s16 =	rddreg [dreg:$0x14]  }
0x10e: {  	s18 =	rddreg [dreg:$0x13];
	s3 =	sadd.s32 $0x1, s16  }
0x10f: {  	p0 =	sne.s32 s3, s18  }
.Ltmp1:
0x110: {  	_ = 	snop;
	(pc) =	sbr.rel @p0 .LBB2_1-.Ltmp1, $3  }
0x111: {  	_ =	sdelay $0x1  }
0x112: {  	[sflag:s13] =	ssyncset.done $0x0  }
0x113: {  	[sflag:s13] =	ssyncadd.s32 $0xFFFFEE00  }
0x114: {  	_ =	sfence.sel $0x180000  }
0x115: {  	[bflag:$0x0] =	sbarrier.arrive $0xFFFF  }
0x116: {  	_ =	strace $0x90000047  }
0x117: {  	s0 =	stileid.u32;
	[bflag:$0x2] =	sbarrier.arrive $0xFFFF  }
0x118: {  	p0 =	sne.s32 s0, $0x0;
	s0 =	rddreg [dreg:$0x4]  }
0x119: {  	s0 =	sadd.s32 @!p0 $0x100000, s0  }
0x11a: {  	[sflag:s0] =	ssyncadd.tile.s32 @!p0 $0x1;
	_ =	shalt  }
.Lfunc_end2:
_tile_overlayer_lowered:
.L_overlay_start_2:
0x11b: {  	(tag) =	ssettag $0x2  }
0x11c: {  	s0 =	rddreg [dreg:$0x0];
	s2 =	stileid.u32  }
0x11d: {  	s1 =	rddreg [dreg:$0x1];
	p0 =	sne.s32 s2, $0x0  }
0x11e: {  	s3 =	rddreg [dreg:$0x2];
	[bflag:$0x3] =	sbarrier.arrive $0xFFFF;
	s2 =	simm.s32 @!p0 $0x1C09  }
0x11f: {  	[timem:s3], [sflag:s2] =	dma.local @!p0 [hbm:s0], s1  }
0x120: {  	s0 =	simm.s32 @!p0 $0x9  }
0x121: {  	_ =	swait.ge @!p0 [sflag:s0], s1  }
0x122: {  	s1 =	ssub.s32 @!p0 $0x0, s1;
	[sflag:s0] =	ssyncset.done @!p0 $0x0  }
0x123: {  	[sflag:s0] =	ssyncadd.s32 @!p0 s1  }
0x124: {  	[bflag:$0x3] =	sbarrier.arrive $0xFFFF  }
0x125: {  	_ =	shalt  }

// kernel: sparse-core-data-format-call.cloned.1.call-start
scs
called_computation_lowered:
.L_overlay_start_0:
0x0: {  	s2 =	sld [smem:$0x3FD9]  }
0x1: {  	s3 =	sld [smem:$0x3FFE];
	_ =	sdelay $0x1  }
0x2: {  	s1 =	srdreg.scid  }
0x3: {  	s0 =	sand.u32 $0x1, s1  }
0x4: {  	s18 =	sshll.u32 s0, $0xA;
	s2 =	sadd.s32 s3, s2  }
0x5: {  	s2 =	sadd.s32 s2, s18  }
0x6: {  	[smem:$0x3FC4] =	sst s2  }
0x7: {  	_ = 	snop  }
0x8: {  	s2 =	sld [smem:$0x3FD0];
	(tm) =	ssettm $0x1  }
0x9: {  	s19 =	sld [smem:$0x3FFB];
	_ =	sdelay $0x3  }
0xa: {  	_ =	strace s19  }
0xb: {  	s3 =	sld [smem:$0x3FFC];
	_ =	sdelay $0x3  }
0xc: {  	_ =	strace s3  }
0xd: {  	s3 =	sld [smem:$0x3FFD];
	_ =	sdelay $0x3  }
0xe: {  	_ =	strace s3  }
0xf: {  	_ =	strace $0x8FFFFFFF  }
0x10: {  	s20 =	sld [smem:$0x3FDB];
	_ =	sdelay $0x1  }
0x11: {  	s4 =	simm.s32 $_scs_section_size  }
0x12: {  	s5 =	simm.s32 $_size__tile_overlayer_lowered;
	s6 =	simm.s32 $_tile_overlayer_lowered  }
0x13: {  	s23 =	simm.s32 $0x1BFF;
	s22 =	sshll.u32 s6, $0x1;
	s3 =	sadd.s32 s4, s20  }
0x14: {  	s7 =	simm.s32 $0x0;
	s21 =	sshll.u32 s5, $0x1;
	s5 =	sadd.s32 s22, s3  }
0x15: {  	[timem:s7], [sflag:s23] =	dma.local [hbm:s5], s21  }
0x16: {  	_ =	swait.ge [sflag:s23], s21  }
0x17: {  	s4 =	ssub.s32 $0x0, s21;
	[sflag:s23] =	ssyncset.done $0x0  }
0x18: {  	[sflag:s23] =	ssyncadd.s32 s4;
	_ =	sdelay $0x1  }
0x19: {  	s24 =	simm.s32 $0x1B8B  }
0x1a: {  	_ =	swait.ge [sflag:s24], $0x1  }
0x1b: {  	[sflag:s24] =	ssyncset.done $0x0  }
0x1c: {  	s26 =	simm.s32 $0x1B8E;
	s25 =	sld [smem:$0x3FFE];
	[sflag:s24] =	ssyncadd.s32 $0xFFFFFFFF  }
0x1d: {  	s27 =	simm.s32 $execute0_lowered;
	[smem:$0x3FD2] =	sst s26  }
0x1e: {  	s5 =	sshll.u32 s27, $0x1;
	_ =	strace $0x80000049;
	[dreg:$0x1] =	wrdreg $0xFFFFFFFF  }
0x1f: {  	s28 =	simm.s32 $_size_execute0_lowered;
	s3 =	sadd.s32 s3, s5;
	[dreg:$0x0] =	wrdreg $0x0  }
0x20: {  	s5 =	sshll.u32 s28, $0x1;
	[dreg:$0x2] =	wrdreg s3  }
0x21: {  	[dreg:$0x3] =	wrdreg s5  }
0x22: {  	[dreg:$0x4] =	wrdreg $0xC0  }
0x23: {  	_ =	task [dreg:s7], $0x5FFFF  }
0x24: {  	[dreg:$0x1] =	wrdreg $0xFFFFFFFF  }
0x25: {  	[dreg:$0x0] =	wrdreg $0x60  }
0x26: {  	[dreg:$0x2] =	wrdreg s25  }
0x27: {  	[dreg:$0x3] =	wrdreg s2  }
0x28: {  	[dreg:$0x4] =	wrdreg $0x9  }
0x29: {  	_ =	task.clear_ibuf [dreg:s7], $0x5FFFF;
	_ =	strace $0x90000049  }
0x2a: {  	s29 =	simm.s32 $0x9;
	_ =	strace $0x8000004B  }
0x2b: {  	_ =	swait.ge [sflag:s29], $0x1  }
0x2c: {  	[sflag:s29] =	ssyncadd.s32 $0xFFFFFFFF  }
0x2d: {  	_ =	strace $0x9000004B  }
0x2e: {  	_ =	sfence  }
0x2f: {  	s30 =	sld [smem:$0x0];
	_ =	sdelay $0x2  }
0x30: {  	s31 =	sshll.u32 s1, $0xD;
	s1 =	sshrl.u32 s1, $0x2  }
0x31: {  	s3 =	sand.u32 $0x4000, s31;
	s1 =	sadd.s32 s1, s30  }
0x32: {  	s0 =	sor.u32 s3, s0;
	s1 =	sshll.u32 s1, $0x11  }
0x33: {  	s0 =	sor.u32 s1, s0  }
0x34: {  	s0 =	sadd.s32 $0x8F2B, s0  }
0x35: {  	[sflag:s0] =	ssyncadd.remote.s32 $0x1  }
0x36: {  	_ =	sfence.sel $0xFFFF  }
0x37: {  	[dreg:$0x0] =	wrdreg $0xFFFFFFFF;
	(pc) =	sbr.abs _section_cstart, $3  }
0x38: {  	[dreg:$0x1] =	wrdreg $0xFFFFFFFF  }
0x39: {  	_ =	task.clear_ibuf [dreg:s7], $0x2FFFF;
	_ =	strace $0x9FFFFFFF  }
0x3a: {  	(tm) =	ssettm $0x7FFFFFFF  }
0x3b: {  	_ =	shalt  }
tec
execute0_lowered:
.L_overlay_start_1:
0x0: {  	(tag) =	ssettag $0x1  }
0x1: {  	s0 =	srdreg.scid  }
0x2: {  	s1 =	sshll.u32 s0, $0x4  }
0x3: {  	s0 =	stileid.u32;
	s1 =	sand.u32 $0x10, s1  }
0x4: {  	s1 =	sor.u32 s0, s1  }
0x5: {  	s6 =	rddreg [dreg:$0x0];
	s4 =	simm.s32 $0x1;
	s2 =	sshll.u32 s1, $0x7  }
0x6: {  	s7 =	simm.s32 $0x2;
	s12 =	simm.s32 $0x0;
	s1 =	ssub.s32 $0x1000, s2  }
0x7: {  	s8 =	simm.s32 $0x8000;
	s13 =	simm.s32 $0x0;
	s3 =	sand.u32 $0xF80, s1  }
0x8: {  	s9 =	simm.s32 $0x0;
	s5 =	sshrl.u32 s1, $0xC;
	p0 =	sne.s32 s3, $0x0  }
.Ltmp0:
0x9: {  	s1 =	rddreg [dreg:$0x2];
	s4 =	simm.s32 @!p0 $0x0;
	(pc) =	sbr.rel .LBB1_1-.Ltmp0, $4  }
0xa: {  	s11 =	simm.s32 $0x0;
	s3 =	rddreg [dreg:$0x1];
	s5 =	sadd.s32 s4, s5  }
0xb: {  	_ =	strace $0x8000004A;
	s4 =	simm.s32 $0x1;
	s5 =	smul.u32 $0xC8, s5  }
0xc: {  	s6 =	sadd.s32 $0x800, s6;
	s10 =	smov.u32 s2;
	[sflag:s4] =	ssyncpa.u1 $0x0  }
0xd: {  	p0 =	por $0x0, $0x0;
	[sflag:s7] =	ssyncpa.u1 $0x0;
	s7 =	sor.u32 $0x1, s5  }
.LBB1_4:
0xe: {  	s16 =	sshll.u32 s13, $0x3;
	s17 =	sand.u32 $0x78, s13  }
0xf: {  	s30 =	sand.u32 $0x7E00, s13;
	s12 =	sshll.u32 s12, $0xF;
	s16 =	sand.u32 $0xC00, s16  }
0x10: {  	[tilespmem:s15+$0x810 ss:$0x81] =	vst.msk $0xffff, v2;
	s31 =	sand.u32 $0x7, s13;
	s16 =	sor.u32 s17, s16;
	s17 =	sadd.s32 s3, s30  }
0x11: {  	[tilespmem:s15+$0x1020 ss:$0x81] =	vst.msk $0xffff, v0;
	s13 =	sshll.u32 s31, $0x12;
	s12 =	sadd.s32 s12, s17;
	s16 =	sshrl.u32 s16, $0x3  }
0x12: {  	[tilespmem:s15+$0x0 ss:$0x81] =	vst.msk $0xffff, v1;
	s13 =	sor.u32 $0x400, s13;
	s12 =	sadd.s32 s16, s12  }
0x13: {  	[hbm4b:s12+s13] =	stream.strided.scatter [tilespmem:s14], [sflag:$0x2], $0x2000, s8, s13, $0x20;
	[tilespmem:$0x8080] =	vst v63  }
.LBB1_5:
0x14: {  	s14 =	sadd.s32 $0x1, s9  }
0x15: {  	s12 =	sadd.s32 $0x1000, s10;
	s16 =	smov.u32 s10;
	p2 =	sgt.s32 s14, $0xC7  }
0x16: {  	s16 =	smov.u32 @p2 s12  }
0x17: {  	s14 =	simm.s32 @p2 $0x0;
	p2 =	sgt.s32 s16, $0xFFF  }
0x18: {  	s16 =	smov.u32 @p2 s2;
	p2 =	sne.s32 s11, s7  }
.Ltmp1:
0x19: {  	p1 =	slt.u32 s11, $0x2;
	(pc) =	sbr.rel @!p2 .LBB1_6-.Ltmp1, $4  }
0x1a: {  	s15 =	simm.s32 @!p1 $0x2  }
0x1b: {  	s13 =	smov.u32 s10;
	p0 =	por !p0, !p0;
	_ =	swait.ge @!p1 [sflag:s15], $0x2000  }
0x1c: {  	s12 =	smov.u32 s9;
	[sflag:s15] =	ssyncset.done @!p1 $0x0;
	s9 =	smov.u32 s14  }
0x1d: {  	s11 =	sadd.s32 $0x1, s11;
	[sflag:s15] =	ssyncadd.s32 @!p1 $0xFFFFE000;
	s10 =	smov.u32 s16  }
.LBB1_1:
0x1e: {  	p1 =	sge.u32 s11, s5  }
0x1f: {  	s14 =	sand.u32 @!p1 $0x1FFFFFF, s9  }
0x20: {  	s15 =	smulhi.u32 @!p1 $0x147AE15, s14;
	_ =	sdelay $0x1  }
0x21: {  	s15 =	smul.u32 @!p1 $0xC8, s15  }
0x22: {  	s16 =	sxor.u32 @!p1 $0xFFFFFFFF, s11;
	s17 =	smul.u32 @!p1 $0xC80, s10  }
0x23: {  	s31 =	sadd.s32 $0xFFFFFFFF, s11;
	s16 =	sshll.u32 @!p1 s16, $0xD;
	s14 =	ssub.s32 @!p1 s14, s15  }
0x24: {  	s15 =	sand.u32 @!p1 $0x2000, s16;
	s16 =	sadd.s32 @!p1 s6, s17;
	s14 =	sshll.u32 @!p1 s14, $0x4  }
0x25: {  	s17 =	simm.s32 @!p1 $0x6400;
	s14 =	sadd.s32 @!p1 s14, s16;
	s16 =	simm.s32 @!p1 $0x40  }
0x26: {  	[tilespmem:s15], [sflag:$0x1] =	stream.strided.gather @!p1 [hbm4b:s14+s16], $0x2000, s17, s16, $0x38;
	[tilespmem:$0x8080] =	vst v63  }
0x27: {  	p1 =	sge.u32 s31, s5  }
.Ltmp2:
0x28: {  	_ = 	snop;
	(pc) =	sbr.rel @p1 .LBB1_5-.Ltmp2, $1  }
0x29: {  	_ =	sdelay $0x3  }
0x2a: {  	s14 =	simm.s32 $0x1  }
0x2b: {  	_ =	swait.ge [sflag:s4], $0x2000;
	s14 =	simm.s32 @!p0 $0x0  }
0x2c: {  	[sflag:s4] =	ssyncset.done $0x0;
	s15 =	sshll.u32 s14, $0xD  }
0x2d: {  	[sflag:s4] =	ssyncadd.s32 $0xFFFFE000;
	s18 =	sor.u32 $0x20, s15  }
0x2e: {  	s14 =	smul.u32 $0x8100, s14;
	v3 =	vld [tilespmem:s18+$0x10]  }
0x2f: {  	s30 =	sand.u32 $0x1, s11;
	v2 =	vld [tilespmem:s18+$0xFFFFFFF0]  }
0x30: {  	s15 =	smul.u32 $0x8100, s30;
	s14 =	sshrl.u32 s14, $0x2;
	v0 =	vld [tilespmem:s18+$0x0]  }
0x31: {  	v1 =	vld [tilespmem:s18+$0xFFFFFFE0];
	s16 =	sor.u32 $0x4000, s14  }
0x32: {  	s31 =	sshrl.u32 s15, $0x2;
	s15 =	sadd.s32 $0x0, s16  }
0x33: {  	s17 =	simm.s32 $0x4;
	s18 =	sadd.s32 $0x40, s18;
	s14 =	sor.u32 $0x4000, s31;
	[tilespmem:s15+$0x1830 ss:$0x81] =	vst.msk $0xffff, v3  }
.LBB1_3:
0x34: {  	v3 =	vld [tilespmem:s18+$0x10];
	p1 =	sne.s32 s17, $0x1FC;
	[tilespmem:s15+$0x810 ss:$0x81] =	vst.msk $0xffff, v2;
	s19 =	smov.u32 s17;
	s17 =	sadd.s32 $0x4, s17  }
.Ltmp3:
0x35: {  	v2 =	vld [tilespmem:s18+$0xFFFFFFF0];
	[tilespmem:s15+$0x1020 ss:$0x81] =	vst.msk $0xffff, v0;
	(pc) =	sbr.rel @p1 .LBB1_3-.Ltmp3, $4  }
0x36: {  	v0 =	vld [tilespmem:s18+$0x0];
	[tilespmem:s15+$0x0 ss:$0x81] =	vst.msk $0xffff, v1  }
0x37: {  	s15 =	sshra.s32 s19, $0x2;
	v1 =	vld [tilespmem:s18+$0xFFFFFFE0]  }
0x38: {  	s15 =	sadd.s32 s15, s16  }
0x39: {  	s18 =	sadd.s32 $0x40, s18;
	[tilespmem:s15+$0x1830 ss:$0x81] =	vst.msk $0xffff, v3  }
.Ltmp4:
0x3a: {  	_ = 	snop;
	(pc) =	sbr.rel .LBB1_4-.Ltmp4, $1  }
0x3b: {  	_ =	sdelay $0x3  }
.LBB1_6:
0x3c: {  	_ =	sfence.sel $0x180000  }
0x3d: {  	s2 =	simm.s32 $0x1;
	[bflag:$0x0] =	sbarrier.arrive $0xFFFF  }
0x3e: {  	s31 =	simm.s32 $0x2;
	[sflag:s2] =	ssyncpa.u1 $0x1  }
0x3f: {  	[sflag:s31] =	ssyncpa.u1 $0x1  }
0x40: {  	p0 =	sne.s32 s0, $0x0;
	_ =	strace $0x9000004A  }
0x41: {  	s0 =	sadd.s32 @!p0 $0x100000, s1;
	[bflag:$0x2] =	sbarrier.arrive $0xFFFF  }
0x42: {  	[sflag:s0] =	ssyncadd.tile.s32 @!p0 $0x1;
	_ =	shalt  }
.Lfunc_end1:
_tile_overlayer_lowered:
.L_overlay_start_2:
0x43: {  	(tag) =	ssettag $0x2  }
0x44: {  	s0 =	rddreg [dreg:$0x0];
	s2 =	stileid.u32  }
0x45: {  	s1 =	rddreg [dreg:$0x1];
	p0 =	sne.s32 s2, $0x0  }
0x46: {  	s3 =	rddreg [dreg:$0x2];
	[bflag:$0x3] =	sbarrier.arrive $0xFFFF;
	s2 =	simm.s32 @!p0 $0x1C01  }
0x47: {  	[timem:s3], [sflag:s2] =	dma.local @!p0 [hbm:s0], s1  }
0x48: {  	s0 =	simm.s32 @!p0 $0x1  }
0x49: {  	_ =	swait.ge @!p0 [sflag:s0], s1  }
0x4a: {  	s1 =	ssub.s32 @!p0 $0x0, s1;
	[sflag:s0] =	ssyncset.done @!p0 $0x0  }
0x4b: {  	[sflag:s0] =	ssyncadd.s32 @!p0 s1  }
0x4c: {  	[bflag:$0x3] =	sbarrier.arrive $0xFFFF  }
0x4d: {  	_ =	shalt  }

</sc_bundles>
